<compile_context>
chip_gen: v7x
topology: tpu7x:2x2x1
jax: 0.10.2.dev20260603
libtpu: 0.0.44.dev20260713+nightly
codegen_flags: <defaults>
</compile_context>

<pallas_src>
import functools

import jax
import jax.numpy as jnp
from jax import lax
from jax.experimental import pallas as pl
from jax.experimental.pallas import tpu as pltpu
from jax.experimental.pallas import tpu_sc as plsc

_N = 819200
_NOFF = 16384
_NW = 32
_C = _N // _NW
_H = _C // 2
_O = _NOFF // _NW
_LANES = 16

_mesh = plsc.VectorSubcoreMesh(core_axis_name="c", subcore_axis_name="s")


@functools.partial(
    pl.kernel,
    mesh=_mesh,
    out_type=(
        jax.ShapeDtypeStruct((2 * _NOFF + 1,), jnp.int32),
        jax.ShapeDtypeStruct((2 * _N,), jnp.float32),
    ),
    scratch_types=[
        pltpu.VMEM((_C,), jnp.float32),
        pltpu.VMEM((_C,), jnp.float32),
        pltpu.VMEM((_O,), jnp.int32),
        pltpu.VMEM((_O,), jnp.int32),
        pltpu.VMEM((_LANES,), jnp.int32),
    ] + [pltpu.SemaphoreType.DMA] * 7,
)
def _sc_psw_off(off0, off1, psw0, psw1,
                out_off, out_psw,
                b_p0, b_p1, ob0, ob1, tail_buf,
                go0, go1, g0, g1, g2, g3, ssem):
    wid = lax.axis_index("s") * 2 + lax.axis_index("c")
    ib = wid * _C
    ob = wid * _O

    oh0 = pltpu.async_copy(off0.at[pl.ds(ob, _O)], ob0, go0)
    oh1 = pltpu.async_copy(off1.at[pl.ds(ob, _O)], ob1, go1)

    halves = []
    for h in range(2):
        for u, (src, buf, base, g) in enumerate([
                (psw0, b_p0, 0, (g0, g2)), (psw1, b_p1, _N, (g1, g3))]):
            halves.append((src.at[pl.ds(ib + h * _H, _H)],
                           buf.at[pl.ds(h * _H, _H)],
                           out_psw.at[pl.ds(base + ib + h * _H, _H)],
                           g[h]))
    gathers = [pltpu.async_copy(s, b, g) for s, b, _, g in halves]

    scatters = []

    oh0.wait()
    scatters.append(pltpu.async_copy(ob0, out_off.at[pl.ds(ob, _O)], ssem))
    oh1.wait()
    for j in range(_O // _LANES):
        sl = pl.ds(j * _LANES, _LANES)
        ob1[sl] = ob1[sl] + jnp.int32(_N)
    scatters.append(pltpu.async_copy(ob1, out_off.at[pl.ds(_NOFF + ob, _O)], ssem))

    @pl.when(wid == _NW - 1)
    def _():
        tail_buf[...] = jnp.full((_LANES,), 2 * _N, jnp.int32)
        pltpu.sync_copy(tail_buf.at[pl.ds(0, 1)], out_off.at[pl.ds(2 * _NOFF, 1)])

    for gh, (_, buf, dst, _) in zip(gathers, halves):
        gh.wait()
        scatters.append(pltpu.async_copy(buf, dst, ssem))
    for sh in scatters:
        sh.wait()


_BLK = 204800
_NB = _N // _BLK


def _tc_concat_body(i0_ref, i1_ref, out_ref):
    i = pl.program_id(0)

    @pl.when(i < _NB)
    def _():
        out_ref[...] = i0_ref[...]

    @pl.when(i >= _NB)
    def _():
        out_ref[...] = i1_ref[...]


def _tc_concat(idx0, idx1):
    return pl.pallas_call(
        _tc_concat_body,
        grid=(2 * _NB,),
        in_specs=[
            pl.BlockSpec((_BLK,), lambda i: (jnp.minimum(i, _NB - 1),)),
            pl.BlockSpec((_BLK,), lambda i: (jnp.maximum(i - _NB, 0),)),
        ],
        out_specs=pl.BlockSpec((_BLK,), lambda i: (i,)),
        out_shape=jax.ShapeDtypeStruct((2 * _N,), jnp.int32),
    )(idx0, idx1)


def kernel(indices_0, indices_1, offsets_0, offsets_1,
           per_sample_weights_0, per_sample_weights_1):
    out_off, out_psw = _sc_psw_off(offsets_0, offsets_1,
                                   per_sample_weights_0, per_sample_weights_1)
    out_idx = _tc_concat(indices_0, indices_1)
    return out_idx, out_off, out_psw

# --- scband reference (transcript-rebuilt; emitter-appended) ---
"""Pipeline reference for scband-tbeinput-prepare-reference-12472585028199 (READ-ONLY COPY).

The authoritative reference and input builder live on the scoring server;
editing this copy changes nothing except your own understanding.
"""

import jax, jax.numpy as jnp
import numpy as np

INCLUDE_LAST_OFFSETS = [True, True]

def setup_inputs(seed: int = 0) -> dict:
    key = jax.random.key(seed)
    k0, k1, k2, k3, k4, k5 = jax.random.split(key, 6)
    indices_0 = jax.random.randint(k0, (819200,), 0, 1000000, dtype=jnp.int32)
    indices_1 = jax.random.randint(k1, (819200,), 0, 1000000, dtype=jnp.int32)
    offsets_0 = jnp.sort(jax.random.randint(k2, (16385,), 0, 819200, dtype=jnp.int32))
    offsets_1 = jnp.sort(jax.random.randint(k3, (16385,), 0, 819200, dtype=jnp.int32))
    per_sample_weights_0 = jax.random.uniform(k4, (819200,), dtype=jnp.float32)
    per_sample_weights_1 = jax.random.uniform(k5, (819200,), dtype=jnp.float32)
    return {
        'indices_0': indices_0,
        'indices_1': indices_1,
        'offsets_0': offsets_0,
        'offsets_1': offsets_1,
        'per_sample_weights_0': per_sample_weights_0,
        'per_sample_weights_1': per_sample_weights_1,
    }

def reference(indices_0, indices_1, offsets_0, offsets_1, per_sample_weights_0, per_sample_weights_1):
    indices_list = [indices_0, indices_1]
    offsets_list = [offsets_0, offsets_1]
    psw_list = [per_sample_weights_0, per_sample_weights_1]
    include_last_offsets = INCLUDE_LAST_OFFSETS

    # combined indices (cast to int32 like the torch out=int32 cat)
    combined_indices = jnp.concatenate([t.astype(jnp.int32) for t in indices_list])

    # static offset bookkeeping (shapes known at trace time)
    offsets_starts = [0]
    offsets_accs = [0]
    for i, inc in enumerate(include_last_offsets):
        if inc:
            offsets_starts.append(offsets_starts[-1] + offsets_list[i].shape[0] - 1)
        else:
            offsets_starts.append(offsets_starts[-1] + offsets_list[i].shape[0])
        offsets_accs.append(offsets_accs[-1] + indices_list[i].shape[0])
    assert offsets_accs[-1] == combined_indices.shape[0]

    combined_offsets = jnp.zeros((offsets_starts[-1] + 1,), dtype=jnp.int32)
    for i in range(len(include_last_offsets)):
        n = offsets_starts[i + 1] - offsets_starts[i]
        seg = offsets_list[i][:n].astype(jnp.int32) + jnp.int32(offsets_accs[i])
        combined_offsets = combined_offsets.at[offsets_starts[i]:offsets_starts[i + 1]].set(seg)
    combined_offsets = combined_offsets.at[-1].set(jnp.int32(offsets_accs[-1]))

    # per-sample weights: ones fill, then overwrite per-table slices (matches torch logic)
    per_sample_weights = None
    for i in range(len(include_last_offsets)):
        if psw_list[i].shape[0] > 0:
            per_sample_weights = jnp.ones((combined_indices.shape[0],), dtype=psw_list[i].dtype)
            break
    if per_sample_weights is not None:
        for i in range(len(include_last_offsets)):
            if psw_list[i].shape[0] > 0:
                per_sample_weights = per_sample_weights.at[offsets_accs[i]:offsets_accs[i + 1]].set(psw_list[i])

    return combined_indices, combined_offsets, per_sample_weights

if __name__ == "__main__":
    import jax
    _d = setup_inputs()
    print(jax.jit(kernel)(*tuple(_d.values())))

</pallas_src>

<mosaic_0001>
#map = affine_map<(d0, d1) -> (0)>
module attributes {stable_mosaic.version = 14 : i64} {
  func.func @_sc_psw_off(%arg0: i32, %arg1: i32, %arg2: memref<16385xi32, #tpu.memory_space<hbm>>, %arg3: memref<16385xi32, #tpu.memory_space<hbm>>, %arg4: memref<819200xf32, #tpu.memory_space<hbm>>, %arg5: memref<819200xf32, #tpu.memory_space<hbm>>, %arg6: memref<32769xi32, #tpu.memory_space<hbm>>, %arg7: memref<1638400xf32, #tpu.memory_space<hbm>>, %arg8: memref<25600xf32, #tpu.memory_space<vmem>>, %arg9: memref<25600xf32, #tpu.memory_space<vmem>>, %arg10: memref<512xi32, #tpu.memory_space<vmem>>, %arg11: memref<512xi32, #tpu.memory_space<vmem>>, %arg12: memref<16xi32, #tpu.memory_space<vmem>>, %arg13: memref<!tpu.dma_semaphore, #tpu.memory_space<semaphore_mem>>, %arg14: memref<!tpu.dma_semaphore, #tpu.memory_space<semaphore_mem>>, %arg15: memref<!tpu.dma_semaphore, #tpu.memory_space<semaphore_mem>>, %arg16: memref<!tpu.dma_semaphore, #tpu.memory_space<semaphore_mem>>, %arg17: memref<!tpu.dma_semaphore, #tpu.memory_space<semaphore_mem>>, %arg18: memref<!tpu.dma_semaphore, #tpu.memory_space<semaphore_mem>>, %arg19: memref<!tpu.dma_semaphore, #tpu.memory_space<semaphore_mem>>) attributes {dimension_semantics = [#tpu.dimension_semantics<core_parallel>, #tpu.dimension_semantics<subcore_parallel>], iteration_bounds = array<i64: 2, 16>, scalar_prefetch = 0 : i64, scratch_operands = 12 : i64, tpu.core_type = #tpu.core_type<sc_vector_subcore>, window_params = [{transform_indices = #map}, {transform_indices = #map}, {transform_indices = #map}, {transform_indices = #map}, {transform_indices = #map}, {transform_indices = #map}]} {
    %mul3A = arith.constant 2 : i32
    %mul3A_0 = arith.muli %arg1, %mul3A : i32
    %add3A = arith.addi %mul3A_0, %arg0 : i32
    %mul3A_1 = arith.constant 25600 : i32
    %mul3A_2 = arith.muli %add3A, %mul3A_1 : i32
    %mul3A_3 = arith.constant 512 : i32
    %mul3A_4 = arith.muli %add3A, %mul3A_3 : i32
    %dma_start3A = tpu.memref_slice %arg2[%mul3A_4] : memref<16385xi32, #tpu.memory_space<hbm>> -> memref<512xi32, #tpu.memory_space<hbm>>
    %dma_start3A_5 = tpu.memref_slice %arg2[%mul3A_4] : memref<16385xi32, #tpu.memory_space<hbm>> -> memref<512xi32, #tpu.memory_space<hbm>>
    tpu.enqueue_dma source(%dma_start3A_5 : memref<512xi32, #tpu.memory_space<hbm>>) target(%arg10 : memref<512xi32, #tpu.memory_space<vmem>>) target_semaphore(%arg13 : memref<!tpu.dma_semaphore, #tpu.memory_space<semaphore_mem>>)
    %dma_start3A_6 = tpu.memref_slice %arg3[%mul3A_4] : memref<16385xi32, #tpu.memory_space<hbm>> -> memref<512xi32, #tpu.memory_space<hbm>>
    %dma_start3A_7 = tpu.memref_slice %arg3[%mul3A_4] : memref<16385xi32, #tpu.memory_space<hbm>> -> memref<512xi32, #tpu.memory_space<hbm>>
    tpu.enqueue_dma source(%dma_start3A_7 : memref<512xi32, #tpu.memory_space<hbm>>) target(%arg11 : memref<512xi32, #tpu.memory_space<vmem>>) target_semaphore(%arg14 : memref<!tpu.dma_semaphore, #tpu.memory_space<semaphore_mem>>)
    %add3A_8 = arith.constant 0 : i32
    %add3A_9 = arith.addi %mul3A_2, %add3A_8 : i32
    %add3A_10 = arith.constant 0 : i32
    %add3A_11 = arith.addi %add3A_10, %mul3A_2 : i32
    %add3A_12 = arith.constant 0 : i32
    %add3A_13 = arith.addi %add3A_11, %add3A_12 : i32
    %add3A_14 = arith.constant 0 : i32
    %add3A_15 = arith.addi %mul3A_2, %add3A_14 : i32
    %add3A_16 = arith.constant 819200 : i32
    %add3A_17 = arith.addi %add3A_16, %mul3A_2 : i32
    %add3A_18 = arith.constant 0 : i32
    %add3A_19 = arith.addi %add3A_17, %add3A_18 : i32
    %add3A_20 = arith.constant 12800 : i32
    %add3A_21 = arith.addi %mul3A_2, %add3A_20 : i32
    %add3A_22 = arith.constant 0 : i32
    %add3A_23 = arith.addi %add3A_22, %mul3A_2 : i32
    %add3A_24 = arith.constant 12800 : i32
    %add3A_25 = arith.addi %add3A_23, %add3A_24 : i32
    %add3A_26 = arith.constant 12800 : i32
    %add3A_27 = arith.addi %mul3A_2, %add3A_26 : i32
    %add3A_28 = arith.constant 819200 : i32
    %add3A_29 = arith.addi %add3A_28, %mul3A_2 : i32
    %add3A_30 = arith.constant 12800 : i32
    %add3A_31 = arith.addi %add3A_29, %add3A_30 : i32
    %dma_start3A_32 = arith.constant 0 : i32
    %dma_start3A_33 = tpu.memref_slice %arg8[%dma_start3A_32] : memref<25600xf32, #tpu.memory_space<vmem>> -> memref<12800xf32, #tpu.memory_space<vmem>>
    %dma_start3A_34 = tpu.memref_slice %arg4[%add3A_9] : memref<819200xf32, #tpu.memory_space<hbm>> -> memref<12800xf32, #tpu.memory_space<hbm>>
    %dma_start3A_35 = arith.constant 0 : i32
    %dma_start3A_36 = tpu.memref_slice %arg8[%dma_start3A_35] : memref<25600xf32, #tpu.memory_space<vmem>> -> memref<12800xf32, #tpu.memory_space<vmem>>
    %dma_start3A_37 = tpu.memref_slice %arg4[%add3A_9] : memref<819200xf32, #tpu.memory_space<hbm>> -> memref<12800xf32, #tpu.memory_space<hbm>>
    tpu.enqueue_dma source(%dma_start3A_37 : memref<12800xf32, #tpu.memory_space<hbm>>) target(%dma_start3A_36 : memref<12800xf32, #tpu.memory_space<vmem>>) target_semaphore(%arg15 : memref<!tpu.dma_semaphore, #tpu.memory_space<semaphore_mem>>)
    %dma_start3A_38 = arith.constant 0 : i32
    %dma_start3A_39 = tpu.memref_slice %arg9[%dma_start3A_38] : memref<25600xf32, #tpu.memory_space<vmem>> -> memref<12800xf32, #tpu.memory_space<vmem>>
    %dma_start3A_40 = tpu.memref_slice %arg5[%add3A_15] : memref<819200xf32, #tpu.memory_space<hbm>> -> memref<12800xf32, #tpu.memory_space<hbm>>
    %dma_start3A_41 = arith.constant 0 : i32
    %dma_start3A_42 = tpu.memref_slice %arg9[%dma_start3A_41] : memref<25600xf32, #tpu.memory_space<vmem>> -> memref<12800xf32, #tpu.memory_space<vmem>>
    %dma_start3A_43 = tpu.memref_slice %arg5[%add3A_15] : memref<819200xf32, #tpu.memory_space<hbm>> -> memref<12800xf32, #tpu.memory_space<hbm>>
    tpu.enqueue_dma source(%dma_start3A_43 : memref<12800xf32, #tpu.memory_space<hbm>>) target(%dma_start3A_42 : memref<12800xf32, #tpu.memory_space<vmem>>) target_semaphore(%arg16 : memref<!tpu.dma_semaphore, #tpu.memory_space<semaphore_mem>>)
    %dma_start3A_44 = arith.constant 12800 : i32
    %dma_start3A_45 = tpu.memref_slice %arg8[%dma_start3A_44] : memref<25600xf32, #tpu.memory_space<vmem>> -> memref<12800xf32, #tpu.memory_space<vmem>>
    %dma_start3A_46 = tpu.memref_slice %arg4[%add3A_21] : memref<819200xf32, #tpu.memory_space<hbm>> -> memref<12800xf32, #tpu.memory_space<hbm>>
    %dma_start3A_47 = arith.constant 12800 : i32
    %dma_start3A_48 = tpu.memref_slice %arg8[%dma_start3A_47] : memref<25600xf32, #tpu.memory_space<vmem>> -> memref<12800xf32, #tpu.memory_space<vmem>>
    %dma_start3A_49 = tpu.memref_slice %arg4[%add3A_21] : memref<819200xf32, #tpu.memory_space<hbm>> -> memref<12800xf32, #tpu.memory_space<hbm>>
    tpu.enqueue_dma source(%dma_start3A_49 : memref<12800xf32, #tpu.memory_space<hbm>>) target(%dma_start3A_48 : memref<12800xf32, #tpu.memory_space<vmem>>) target_semaphore(%arg17 : memref<!tpu.dma_semaphore, #tpu.memory_space<semaphore_mem>>)
    %dma_start3A_50 = arith.constant 12800 : i32
    %dma_start3A_51 = tpu.memref_slice %arg9[%dma_start3A_50] : memref<25600xf32, #tpu.memory_space<vmem>> -> memref<12800xf32, #tpu.memory_space<vmem>>
    %dma_start3A_52 = tpu.memref_slice %arg5[%add3A_27] : memref<819200xf32, #tpu.memory_space<hbm>> -> memref<12800xf32, #tpu.memory_space<hbm>>
    %dma_start3A_53 = arith.constant 12800 : i32
    %dma_start3A_54 = tpu.memref_slice %arg9[%dma_start3A_53] : memref<25600xf32, #tpu.memory_space<vmem>> -> memref<12800xf32, #tpu.memory_space<vmem>>
    %dma_start3A_55 = tpu.memref_slice %arg5[%add3A_27] : memref<819200xf32, #tpu.memory_space<hbm>> -> memref<12800xf32, #tpu.memory_space<hbm>>
    tpu.enqueue_dma source(%dma_start3A_55 : memref<12800xf32, #tpu.memory_space<hbm>>) target(%dma_start3A_54 : memref<12800xf32, #tpu.memory_space<vmem>>) target_semaphore(%arg18 : memref<!tpu.dma_semaphore, #tpu.memory_space<semaphore_mem>>)
    %dma_wait3A = tpu.memref_slice %arg2[%mul3A_4] : memref<16385xi32, #tpu.memory_space<hbm>> -> memref<512xi32, #tpu.memory_space<hbm>>
    %dma_wait3A_56 = tpu.memref_slice %arg2[%mul3A_4] : memref<16385xi32, #tpu.memory_space<hbm>> -> memref<512xi32, #tpu.memory_space<hbm>>
    tpu.wait_dma2 semaphore(%arg13 : memref<!tpu.dma_semaphore, #tpu.memory_space<semaphore_mem>>) src(%dma_wait3A_56 : memref<512xi32, #tpu.memory_space<hbm>>) dst(%arg10 : memref<512xi32, #tpu.memory_space<vmem>>)
    %dma_start3A_57 = tpu.memref_slice %arg6[%mul3A_4] : memref<32769xi32, #tpu.memory_space<hbm>> -> memref<512xi32, #tpu.memory_space<hbm>>
    %dma_start3A_58 = tpu.memref_slice %arg6[%mul3A_4] : memref<32769xi32, #tpu.memory_space<hbm>> -> memref<512xi32, #tpu.memory_space<hbm>>
    tpu.enqueue_dma source(%arg10 : memref<512xi32, #tpu.memory_space<vmem>>) target(%dma_start3A_58 : memref<512xi32, #tpu.memory_space<hbm>>) target_semaphore(%arg19 : memref<!tpu.dma_semaphore, #tpu.memory_space<semaphore_mem>>)
    %dma_wait3A_59 = tpu.memref_slice %arg3[%mul3A_4] : memref<16385xi32, #tpu.memory_space<hbm>> -> memref<512xi32, #tpu.memory_space<hbm>>
    %dma_wait3A_60 = tpu.memref_slice %arg3[%mul3A_4] : memref<16385xi32, #tpu.memory_space<hbm>> -> memref<512xi32, #tpu.memory_space<hbm>>
    tpu.wait_dma2 semaphore(%arg14 : memref<!tpu.dma_semaphore, #tpu.memory_space<semaphore_mem>>) src(%dma_wait3A_60 : memref<512xi32, #tpu.memory_space<hbm>>) dst(%arg11 : memref<512xi32, #tpu.memory_space<vmem>>)
    %get3A = arith.constant 0 : index
    %get3A_61 = tpu.vector_load %arg11[%get3A] {strides = array<i32>} : memref<512xi32, #tpu.memory_space<vmem>>, vector<16xi32>,
    %get3A_62 = vector.shape_cast %get3A_61 : vector<16xi32> to vector<16xi32>
    %add3A_63 = arith.constant 819200 : i32
    %add3A_64 = vector.broadcast %add3A_63 : i32 to vector<16xi32>
    %add3A_65 = arith.addi %get3A_62, %add3A_64 : vector<16xi32>
    %swap3A = arith.constant 0 : index
    %swap3A_66 = tpu.vector_load %arg11[%swap3A] {strides = array<i32>} : memref<512xi32, #tpu.memory_space<vmem>>, vector<16xi32>,
    %swap3A_67 = vector.shape_cast %swap3A_66 : vector<16xi32> to vector<16xi32>
    %swap3A_68 = vector.shape_cast %add3A_65 : vector<16xi32> to vector<16xi32>
    tpu.vector_store %arg11[%swap3A], %swap3A_68 {strides = array<i32>} : memref<512xi32, #tpu.memory_space<vmem>>, vector<16xi32>,
    %get3A_69 = arith.constant 16 : index
    %get3A_70 = tpu.vector_load %arg11[%get3A_69] {strides = array<i32>} : memref<512xi32, #tpu.memory_space<vmem>>, vector<16xi32>,
    %get3A_71 = vector.shape_cast %get3A_70 : vector<16xi32> to vector<16xi32>
    %add3A_72 = arith.constant 819200 : i32
    %add3A_73 = vector.broadcast %add3A_72 : i32 to vector<16xi32>
    %add3A_74 = arith.addi %get3A_71, %add3A_73 : vector<16xi32>
    %swap3A_75 = arith.constant 16 : index
    %swap3A_76 = tpu.vector_load %arg11[%swap3A_75] {strides = array<i32>} : memref<512xi32, #tpu.memory_space<vmem>>, vector<16xi32>,
    %swap3A_77 = vector.shape_cast %swap3A_76 : vector<16xi32> to vector<16xi32>
    %swap3A_78 = vector.shape_cast %add3A_74 : vector<16xi32> to vector<16xi32>
    tpu.vector_store %arg11[%swap3A_75], %swap3A_78 {strides = array<i32>} : memref<512xi32, #tpu.memory_space<vmem>>, vector<16xi32>,
    %get3A_79 = arith.constant 32 : index
    %get3A_80 = tpu.vector_load %arg11[%get3A_79] {strides = array<i32>} : memref<512xi32, #tpu.memory_space<vmem>>, vector<16xi32>,
    %get3A_81 = vector.shape_cast %get3A_80 : vector<16xi32> to vector<16xi32>
    %add3A_82 = arith.constant 819200 : i32
    %add3A_83 = vector.broadcast %add3A_82 : i32 to vector<16xi32>
    %add3A_84 = arith.addi %get3A_81, %add3A_83 : vector<16xi32>
    %swap3A_85 = arith.constant 32 : index
    %swap3A_86 = tpu.vector_load %arg11[%swap3A_85] {strides = array<i32>} : memref<512xi32, #tpu.memory_space<vmem>>, vector<16xi32>,
    %swap3A_87 = vector.shape_cast %swap3A_86 : vector<16xi32> to vector<16xi32>
    %swap3A_88 = vector.shape_cast %add3A_84 : vector<16xi32> to vector<16xi32>
    tpu.vector_store %arg11[%swap3A_85], %swap3A_88 {strides = array<i32>} : memref<512xi32, #tpu.memory_space<vmem>>, vector<16xi32>,
    %get3A_89 = arith.constant 48 : index
    %get3A_90 = tpu.vector_load %arg11[%get3A_89] {strides = array<i32>} : memref<512xi32, #tpu.memory_space<vmem>>, vector<16xi32>,
    %get3A_91 = vector.shape_cast %get3A_90 : vector<16xi32> to vector<16xi32>
    %add3A_92 = arith.constant 819200 : i32
    %add3A_93 = vector.broadcast %add3A_92 : i32 to vector<16xi32>
    %add3A_94 = arith.addi %get3A_91, %add3A_93 : vector<16xi32>
    %swap3A_95 = arith.constant 48 : index
    %swap3A_96 = tpu.vector_load %arg11[%swap3A_95] {strides = array<i32>} : memref<512xi32, #tpu.memory_space<vmem>>, vector<16xi32>,
    %swap3A_97 = vector.shape_cast %swap3A_96 : vector<16xi32> to vector<16xi32>
    %swap3A_98 = vector.shape_cast %add3A_94 : vector<16xi32> to vector<16xi32>
    tpu.vector_store %arg11[%swap3A_95], %swap3A_98 {strides = array<i32>} : memref<512xi32, #tpu.memory_space<vmem>>, vector<16xi32>,
    %get3A_99 = arith.constant 64 : index
    %get3A_100 = tpu.vector_load %arg11[%get3A_99] {strides = array<i32>} : memref<512xi32, #tpu.memory_space<vmem>>, vector<16xi32>,
    %get3A_101 = vector.shape_cast %get3A_100 : vector<16xi32> to vector<16xi32>
    %add3A_102 = arith.constant 819200 : i32
    %add3A_103 = vector.broadcast %add3A_102 : i32 to vector<16xi32>
    %add3A_104 = arith.addi %get3A_101, %add3A_103 : vector<16xi32>
    %swap3A_105 = arith.constant 64 : index
    %swap3A_106 = tpu.vector_load %arg11[%swap3A_105] {strides = array<i32>} : memref<512xi32, #tpu.memory_space<vmem>>, vector<16xi32>,
    %swap3A_107 = vector.shape_cast %swap3A_106 : vector<16xi32> to vector<16xi32>
    %swap3A_108 = vector.shape_cast %add3A_104 : vector<16xi32> to vector<16xi32>
    tpu.vector_store %arg11[%swap3A_105], %swap3A_108 {strides = array<i32>} : memref<512xi32, #tpu.memory_space<vmem>>, vector<16xi32>,
    %get3A_109 = arith.constant 80 : index
    %get3A_110 = tpu.vector_load %arg11[%get3A_109] {strides = array<i32>} : memref<512xi32, #tpu.memory_space<vmem>>, vector<16xi32>,
    %get3A_111 = vector.shape_cast %get3A_110 : vector<16xi32> to vector<16xi32>
    %add3A_112 = arith.constant 819200 : i32
    %add3A_113 = vector.broadcast %add3A_112 : i32 to vector<16xi32>
    %add3A_114 = arith.addi %get3A_111, %add3A_113 : vector<16xi32>
    %swap3A_115 = arith.constant 80 : index
    %swap3A_116 = tpu.vector_load %arg11[%swap3A_115] {strides = array<i32>} : memref<512xi32, #tpu.memory_space<vmem>>, vector<16xi32>,
    %swap3A_117 = vector.shape_cast %swap3A_116 : vector<16xi32> to vector<16xi32>
    %swap3A_118 = vector.shape_cast %add3A_114 : vector<16xi32> to vector<16xi32>
    tpu.vector_store %arg11[%swap3A_115], %swap3A_118 {strides = array<i32>} : memref<512xi32, #tpu.memory_space<vmem>>, vector<16xi32>,
    %get3A_119 = arith.constant 96 : index
    %get3A_120 = tpu.vector_load %arg11[%get3A_119] {strides = array<i32>} : memref<512xi32, #tpu.memory_space<vmem>>, vector<16xi32>,
    %get3A_121 = vector.shape_cast %get3A_120 : vector<16xi32> to vector<16xi32>
    %add3A_122 = arith.constant 819200 : i32
    %add3A_123 = vector.broadcast %add3A_122 : i32 to vector<16xi32>
    %add3A_124 = arith.addi %get3A_121, %add3A_123 : vector<16xi32>
    %swap3A_125 = arith.constant 96 : index
    %swap3A_126 = tpu.vector_load %arg11[%swap3A_125] {strides = array<i32>} : memref<512xi32, #tpu.memory_space<vmem>>, vector<16xi32>,
    %swap3A_127 = vector.shape_cast %swap3A_126 : vector<16xi32> to vector<16xi32>
    %swap3A_128 = vector.shape_cast %add3A_124 : vector<16xi32> to vector<16xi32>
    tpu.vector_store %arg11[%swap3A_125], %swap3A_128 {strides = array<i32>} : memref<512xi32, #tpu.memory_space<vmem>>, vector<16xi32>,
    %get3A_129 = arith.constant 112 : index
    %get3A_130 = tpu.vector_load %arg11[%get3A_129] {strides = array<i32>} : memref<512xi32, #tpu.memory_space<vmem>>, vector<16xi32>,
    %get3A_131 = vector.shape_cast %get3A_130 : vector<16xi32> to vector<16xi32>
    %add3A_132 = arith.constant 819200 : i32
    %add3A_133 = vector.broadcast %add3A_132 : i32 to vector<16xi32>
    %add3A_134 = arith.addi %get3A_131, %add3A_133 : vector<16xi32>
    %swap3A_135 = arith.constant 112 : index
    %swap3A_136 = tpu.vector_load %arg11[%swap3A_135] {strides = array<i32>} : memref<512xi32, #tpu.memory_space<vmem>>, vector<16xi32>,
    %swap3A_137 = vector.shape_cast %swap3A_136 : vector<16xi32> to vector<16xi32>
    %swap3A_138 = vector.shape_cast %add3A_134 : vector<16xi32> to vector<16xi32>
    tpu.vector_store %arg11[%swap3A_135], %swap3A_138 {strides = array<i32>} : memref<512xi32, #tpu.memory_space<vmem>>, vector<16xi32>,
    %get3A_139 = arith.constant 128 : index
    %get3A_140 = tpu.vector_load %arg11[%get3A_139] {strides = array<i32>} : memref<512xi32, #tpu.memory_space<vmem>>, vector<16xi32>,
    %get3A_141 = vector.shape_cast %get3A_140 : vector<16xi32> to vector<16xi32>
    %add3A_142 = arith.constant 819200 : i32
    %add3A_143 = vector.broadcast %add3A_142 : i32 to vector<16xi32>
    %add3A_144 = arith.addi %get3A_141, %add3A_143 : vector<16xi32>
    %swap3A_145 = arith.constant 128 : index
    %swap3A_146 = tpu.vector_load %arg11[%swap3A_145] {strides = array<i32>} : memref<512xi32, #tpu.memory_space<vmem>>, vector<16xi32>,
    %swap3A_147 = vector.shape_cast %swap3A_146 : vector<16xi32> to vector<16xi32>
    %swap3A_148 = vector.shape_cast %add3A_144 : vector<16xi32> to vector<16xi32>
    tpu.vector_store %arg11[%swap3A_145], %swap3A_148 {strides = array<i32>} : memref<512xi32, #tpu.memory_space<vmem>>, vector<16xi32>,
    %get3A_149 = arith.constant 144 : index
    %get3A_150 = tpu.vector_load %arg11[%get3A_149] {strides = array<i32>} : memref<512xi32, #tpu.memory_space<vmem>>, vector<16xi32>,
    %get3A_151 = vector.shape_cast %get3A_150 : vector<16xi32> to vector<16xi32>
    %add3A_152 = arith.constant 819200 : i32
    %add3A_153 = vector.broadcast %add3A_152 : i32 to vector<16xi32>
    %add3A_154 = arith.addi %get3A_151, %add3A_153 : vector<16xi32>
    %swap3A_155 = arith.constant 144 : index
    %swap3A_156 = tpu.vector_load %arg11[%swap3A_155] {strides = array<i32>} : memref<512xi32, #tpu.memory_space<vmem>>, vector<16xi32>,
    %swap3A_157 = vector.shape_cast %swap3A_156 : vector<16xi32> to vector<16xi32>
    %swap3A_158 = vector.shape_cast %add3A_154 : vector<16xi32> to vector<16xi32>
    tpu.vector_store %arg11[%swap3A_155], %swap3A_158 {strides = array<i32>} : memref<512xi32, #tpu.memory_space<vmem>>, vector<16xi32>,
    %get3A_159 = arith.constant 160 : index
    %get3A_160 = tpu.vector_load %arg11[%get3A_159] {strides = array<i32>} : memref<512xi32, #tpu.memory_space<vmem>>, vector<16xi32>,
    %get3A_161 = vector.shape_cast %get3A_160 : vector<16xi32> to vector<16xi32>
    %add3A_162 = arith.constant 819200 : i32
    %add3A_163 = vector.broadcast %add3A_162 : i32 to vector<16xi32>
    %add3A_164 = arith.addi %get3A_161, %add3A_163 : vector<16xi32>
    %swap3A_165 = arith.constant 160 : index
    %swap3A_166 = tpu.vector_load %arg11[%swap3A_165] {strides = array<i32>} : memref<512xi32, #tpu.memory_space<vmem>>, vector<16xi32>,
    %swap3A_167 = vector.shape_cast %swap3A_166 : vector<16xi32> to vector<16xi32>
    %swap3A_168 = vector.shape_cast %add3A_164 : vector<16xi32> to vector<16xi32>
    tpu.vector_store %arg11[%swap3A_165], %swap3A_168 {strides = array<i32>} : memref<512xi32, #tpu.memory_space<vmem>>, vector<16xi32>,
    %get3A_169 = arith.constant 176 : index
    %get3A_170 = tpu.vector_load %arg11[%get3A_169] {strides = array<i32>} : memref<512xi32, #tpu.memory_space<vmem>>, vector<16xi32>,
    %get3A_171 = vector.shape_cast %get3A_170 : vector<16xi32> to vector<16xi32>
    %add3A_172 = arith.constant 819200 : i32
    %add3A_173 = vector.broadcast %add3A_172 : i32 to vector<16xi32>
    %add3A_174 = arith.addi %get3A_171, %add3A_173 : vector<16xi32>
    %swap3A_175 = arith.constant 176 : index
    %swap3A_176 = tpu.vector_load %arg11[%swap3A_175] {strides = array<i32>} : memref<512xi32, #tpu.memory_space<vmem>>, vector<16xi32>,
    %swap3A_177 = vector.shape_cast %swap3A_176 : vector<16xi32> to vector<16xi32>
    %swap3A_178 = vector.shape_cast %add3A_174 : vector<16xi32> to vector<16xi32>
    tpu.vector_store %arg11[%swap3A_175], %swap3A_178 {strides = array<i32>} : memref<512xi32, #tpu.memory_space<vmem>>, vector<16xi32>,
    %get3A_179 = arith.constant 192 : index
    %get3A_180 = tpu.vector_load %arg11[%get3A_179] {strides = array<i32>} : memref<512xi32, #tpu.memory_space<vmem>>, vector<16xi32>,
    %get3A_181 = vector.shape_cast %get3A_180 : vector<16xi32> to vector<16xi32>
    %add3A_182 = arith.constant 819200 : i32
    %add3A_183 = vector.broadcast %add3A_182 : i32 to vector<16xi32>
    %add3A_184 = arith.addi %get3A_181, %add3A_183 : vector<16xi32>
    %swap3A_185 = arith.constant 192 : index
    %swap3A_186 = tpu.vector_load %arg11[%swap3A_185] {strides = array<i32>} : memref<512xi32, #tpu.memory_space<vmem>>, vector<16xi32>,
    %swap3A_187 = vector.shape_cast %swap3A_186 : vector<16xi32> to vector<16xi32>
    %swap3A_188 = vector.shape_cast %add3A_184 : vector<16xi32> to vector<16xi32>
    tpu.vector_store %arg11[%swap3A_185], %swap3A_188 {strides = array<i32>} : memref<512xi32, #tpu.memory_space<vmem>>, vector<16xi32>,
    %get3A_189 = arith.constant 208 : index
    %get3A_190 = tpu.vector_load %arg11[%get3A_189] {strides = array<i32>} : memref<512xi32, #tpu.memory_space<vmem>>, vector<16xi32>,
    %get3A_191 = vector.shape_cast %get3A_190 : vector<16xi32> to vector<16xi32>
    %add3A_192 = arith.constant 819200 : i32
    %add3A_193 = vector.broadcast %add3A_192 : i32 to vector<16xi32>
    %add3A_194 = arith.addi %get3A_191, %add3A_193 : vector<16xi32>
    %swap3A_195 = arith.constant 208 : index
    %swap3A_196 = tpu.vector_load %arg11[%swap3A_195] {strides = array<i32>} : memref<512xi32, #tpu.memory_space<vmem>>, vector<16xi32>,
    %swap3A_197 = vector.shape_cast %swap3A_196 : vector<16xi32> to vector<16xi32>
    %swap3A_198 = vector.shape_cast %add3A_194 : vector<16xi32> to vector<16xi32>
    tpu.vector_store %arg11[%swap3A_195], %swap3A_198 {strides = array<i32>} : memref<512xi32, #tpu.memory_space<vmem>>, vector<16xi32>,
    %get3A_199 = arith.constant 224 : index
    %get3A_200 = tpu.vector_load %arg11[%get3A_199] {strides = array<i32>} : memref<512xi32, #tpu.memory_space<vmem>>, vector<16xi32>,
    %get3A_201 = vector.shape_cast %get3A_200 : vector<16xi32> to vector<16xi32>
    %add3A_202 = arith.constant 819200 : i32
    %add3A_203 = vector.broadcast %add3A_202 : i32 to vector<16xi32>
    %add3A_204 = arith.addi %get3A_201, %add3A_203 : vector<16xi32>
    %swap3A_205 = arith.constant 224 : index
    %swap3A_206 = tpu.vector_load %arg11[%swap3A_205] {strides = array<i32>} : memref<512xi32, #tpu.memory_space<vmem>>, vector<16xi32>,
    %swap3A_207 = vector.shape_cast %swap3A_206 : vector<16xi32> to vector<16xi32>
    %swap3A_208 = vector.shape_cast %add3A_204 : vector<16xi32> to vector<16xi32>
    tpu.vector_store %arg11[%swap3A_205], %swap3A_208 {strides = array<i32>} : memref<512xi32, #tpu.memory_space<vmem>>, vector<16xi32>,
    %get3A_209 = arith.constant 240 : index
    %get3A_210 = tpu.vector_load %arg11[%get3A_209] {strides = array<i32>} : memref<512xi32, #tpu.memory_space<vmem>>, vector<16xi32>,
    %get3A_211 = vector.shape_cast %get3A_210 : vector<16xi32> to vector<16xi32>
    %add3A_212 = arith.constant 819200 : i32
    %add3A_213 = vector.broadcast %add3A_212 : i32 to vector<16xi32>
    %add3A_214 = arith.addi %get3A_211, %add3A_213 : vector<16xi32>
    %swap3A_215 = arith.constant 240 : index
    %swap3A_216 = tpu.vector_load %arg11[%swap3A_215] {strides = array<i32>} : memref<512xi32, #tpu.memory_space<vmem>>, vector<16xi32>,
    %swap3A_217 = vector.shape_cast %swap3A_216 : vector<16xi32> to vector<16xi32>
    %swap3A_218 = vector.shape_cast %add3A_214 : vector<16xi32> to vector<16xi32>
    tpu.vector_store %arg11[%swap3A_215], %swap3A_218 {strides = array<i32>} : memref<512xi32, #tpu.memory_space<vmem>>, vector<16xi32>,
    %get3A_219 = arith.constant 256 : index
    %get3A_220 = tpu.vector_load %arg11[%get3A_219] {strides = array<i32>} : memref<512xi32, #tpu.memory_space<vmem>>, vector<16xi32>,
    %get3A_221 = vector.shape_cast %get3A_220 : vector<16xi32> to vector<16xi32>
    %add3A_222 = arith.constant 819200 : i32
    %add3A_223 = vector.broadcast %add3A_222 : i32 to vector<16xi32>
    %add3A_224 = arith.addi %get3A_221, %add3A_223 : vector<16xi32>
    %swap3A_225 = arith.constant 256 : index
    %swap3A_226 = tpu.vector_load %arg11[%swap3A_225] {strides = array<i32>} : memref<512xi32, #tpu.memory_space<vmem>>, vector<16xi32>,
    %swap3A_227 = vector.shape_cast %swap3A_226 : vector<16xi32> to vector<16xi32>
    %swap3A_228 = vector.shape_cast %add3A_224 : vector<16xi32> to vector<16xi32>
    tpu.vector_store %arg11[%swap3A_225], %swap3A_228 {strides = array<i32>} : memref<512xi32, #tpu.memory_space<vmem>>, vector<16xi32>,
    %get3A_229 = arith.constant 272 : index
    %get3A_230 = tpu.vector_load %arg11[%get3A_229] {strides = array<i32>} : memref<512xi32, #tpu.memory_space<vmem>>, vector<16xi32>,
    %get3A_231 = vector.shape_cast %get3A_230 : vector<16xi32> to vector<16xi32>
    %add3A_232 = arith.constant 819200 : i32
    %add3A_233 = vector.broadcast %add3A_232 : i32 to vector<16xi32>
    %add3A_234 = arith.addi %get3A_231, %add3A_233 : vector<16xi32>
    %swap3A_235 = arith.constant 272 : index
    %swap3A_236 = tpu.vector_load %arg11[%swap3A_235] {strides = array<i32>} : memref<512xi32, #tpu.memory_space<vmem>>, vector<16xi32>,
    %swap3A_237 = vector.shape_cast %swap3A_236 : vector<16xi32> to vector<16xi32>
    %swap3A_238 = vector.shape_cast %add3A_234 : vector<16xi32> to vector<16xi32>
    tpu.vector_store %arg11[%swap3A_235], %swap3A_238 {strides = array<i32>} : memref<512xi32, #tpu.memory_space<vmem>>, vector<16xi32>,
    %get3A_239 = arith.constant 288 : index
    %get3A_240 = tpu.vector_load %arg11[%get3A_239] {strides = array<i32>} : memref<512xi32, #tpu.memory_space<vmem>>, vector<16xi32>,
    %get3A_241 = vector.shape_cast %get3A_240 : vector<16xi32> to vector<16xi32>
    %add3A_242 = arith.constant 819200 : i32
    %add3A_243 = vector.broadcast %add3A_242 : i32 to vector<16xi32>
    %add3A_244 = arith.addi %get3A_241, %add3A_243 : vector<16xi32>
    %swap3A_245 = arith.constant 288 : index
    %swap3A_246 = tpu.vector_load %arg11[%swap3A_245] {strides = array<i32>} : memref<512xi32, #tpu.memory_space<vmem>>, vector<16xi32>,
    %swap3A_247 = vector.shape_cast %swap3A_246 : vector<16xi32> to vector<16xi32>
    %swap3A_248 = vector.shape_cast %add3A_244 : vector<16xi32> to vector<16xi32>
    tpu.vector_store %arg11[%swap3A_245], %swap3A_248 {strides = array<i32>} : memref<512xi32, #tpu.memory_space<vmem>>, vector<16xi32>,
    %get3A_249 = arith.constant 304 : index
    %get3A_250 = tpu.vector_load %arg11[%get3A_249] {strides = array<i32>} : memref<512xi32, #tpu.memory_space<vmem>>, vector<16xi32>,
    %get3A_251 = vector.shape_cast %get3A_250 : vector<16xi32> to vector<16xi32>
    %add3A_252 = arith.constant 819200 : i32
    %add3A_253 = vector.broadcast %add3A_252 : i32 to vector<16xi32>
    %add3A_254 = arith.addi %get3A_251, %add3A_253 : vector<16xi32>
    %swap3A_255 = arith.constant 304 : index
    %swap3A_256 = tpu.vector_load %arg11[%swap3A_255] {strides = array<i32>} : memref<512xi32, #tpu.memory_space<vmem>>, vector<16xi32>,
    %swap3A_257 = vector.shape_cast %swap3A_256 : vector<16xi32> to vector<16xi32>
    %swap3A_258 = vector.shape_cast %add3A_254 : vector<16xi32> to vector<16xi32>
    tpu.vector_store %arg11[%swap3A_255], %swap3A_258 {strides = array<i32>} : memref<512xi32, #tpu.memory_space<vmem>>, vector<16xi32>,
    %get3A_259 = arith.constant 320 : index
    %get3A_260 = tpu.vector_load %arg11[%get3A_259] {strides = array<i32>} : memref<512xi32, #tpu.memory_space<vmem>>, vector<16xi32>,
    %get3A_261 = vector.shape_cast %get3A_260 : vector<16xi32> to vector<16xi32>
    %add3A_262 = arith.constant 819200 : i32
    %add3A_263 = vector.broadcast %add3A_262 : i32 to vector<16xi32>
    %add3A_264 = arith.addi %get3A_261, %add3A_263 : vector<16xi32>
    %swap3A_265 = arith.constant 320 : index
    %swap3A_266 = tpu.vector_load %arg11[%swap3A_265] {strides = array<i32>} : memref<512xi32, #tpu.memory_space<vmem>>, vector<16xi32>,
    %swap3A_267 = vector.shape_cast %swap3A_266 : vector<16xi32> to vector<16xi32>
    %swap3A_268 = vector.shape_cast %add3A_264 : vector<16xi32> to vector<16xi32>
    tpu.vector_store %arg11[%swap3A_265], %swap3A_268 {strides = array<i32>} : memref<512xi32, #tpu.memory_space<vmem>>, vector<16xi32>,
    %get3A_269 = arith.constant 336 : index
    %get3A_270 = tpu.vector_load %arg11[%get3A_269] {strides = array<i32>} : memref<512xi32, #tpu.memory_space<vmem>>, vector<16xi32>,
    %get3A_271 = vector.shape_cast %get3A_270 : vector<16xi32> to vector<16xi32>
    %add3A_272 = arith.constant 819200 : i32
    %add3A_273 = vector.broadcast %add3A_272 : i32 to vector<16xi32>
    %add3A_274 = arith.addi %get3A_271, %add3A_273 : vector<16xi32>
    %swap3A_275 = arith.constant 336 : index
    %swap3A_276 = tpu.vector_load %arg11[%swap3A_275] {strides = array<i32>} : memref<512xi32, #tpu.memory_space<vmem>>, vector<16xi32>,
    %swap3A_277 = vector.shape_cast %swap3A_276 : vector<16xi32> to vector<16xi32>
    %swap3A_278 = vector.shape_cast %add3A_274 : vector<16xi32> to vector<16xi32>
    tpu.vector_store %arg11[%swap3A_275], %swap3A_278 {strides = array<i32>} : memref<512xi32, #tpu.memory_space<vmem>>, vector<16xi32>,
    %get3A_279 = arith.constant 352 : index
    %get3A_280 = tpu.vector_load %arg11[%get3A_279] {strides = array<i32>} : memref<512xi32, #tpu.memory_space<vmem>>, vector<16xi32>,
    %get3A_281 = vector.shape_cast %get3A_280 : vector<16xi32> to vector<16xi32>
    %add3A_282 = arith.constant 819200 : i32
    %add3A_283 = vector.broadcast %add3A_282 : i32 to vector<16xi32>
    %add3A_284 = arith.addi %get3A_281, %add3A_283 : vector<16xi32>
    %swap3A_285 = arith.constant 352 : index
    %swap3A_286 = tpu.vector_load %arg11[%swap3A_285] {strides = array<i32>} : memref<512xi32, #tpu.memory_space<vmem>>, vector<16xi32>,
    %swap3A_287 = vector.shape_cast %swap3A_286 : vector<16xi32> to vector<16xi32>
    %swap3A_288 = vector.shape_cast %add3A_284 : vector<16xi32> to vector<16xi32>
    tpu.vector_store %arg11[%swap3A_285], %swap3A_288 {strides = array<i32>} : memref<512xi32, #tpu.memory_space<vmem>>, vector<16xi32>,
    %get3A_289 = arith.constant 368 : index
    %get3A_290 = tpu.vector_load %arg11[%get3A_289] {strides = array<i32>} : memref<512xi32, #tpu.memory_space<vmem>>, vector<16xi32>,
    %get3A_291 = vector.shape_cast %get3A_290 : vector<16xi32> to vector<16xi32>
    %add3A_292 = arith.constant 819200 : i32
    %add3A_293 = vector.broadcast %add3A_292 : i32 to vector<16xi32>
    %add3A_294 = arith.addi %get3A_291, %add3A_293 : vector<16xi32>
    %swap3A_295 = arith.constant 368 : index
    %swap3A_296 = tpu.vector_load %arg11[%swap3A_295] {strides = array<i32>} : memref<512xi32, #tpu.memory_space<vmem>>, vector<16xi32>,
    %swap3A_297 = vector.shape_cast %swap3A_296 : vector<16xi32> to vector<16xi32>
    %swap3A_298 = vector.shape_cast %add3A_294 : vector<16xi32> to vector<16xi32>
    tpu.vector_store %arg11[%swap3A_295], %swap3A_298 {strides = array<i32>} : memref<512xi32, #tpu.memory_space<vmem>>, vector<16xi32>,
    %get3A_299 = arith.constant 384 : index
    %get3A_300 = tpu.vector_load %arg11[%get3A_299] {strides = array<i32>} : memref<512xi32, #tpu.memory_space<vmem>>, vector<16xi32>,
    %get3A_301 = vector.shape_cast %get3A_300 : vector<16xi32> to vector<16xi32>
    %add3A_302 = arith.constant 819200 : i32
    %add3A_303 = vector.broadcast %add3A_302 : i32 to vector<16xi32>
    %add3A_304 = arith.addi %get3A_301, %add3A_303 : vector<16xi32>
    %swap3A_305 = arith.constant 384 : index
    %swap3A_306 = tpu.vector_load %arg11[%swap3A_305] {strides = array<i32>} : memref<512xi32, #tpu.memory_space<vmem>>, vector<16xi32>,
    %swap3A_307 = vector.shape_cast %swap3A_306 : vector<16xi32> to vector<16xi32>
    %swap3A_308 = vector.shape_cast %add3A_304 : vector<16xi32> to vector<16xi32>
    tpu.vector_store %arg11[%swap3A_305], %swap3A_308 {strides = array<i32>} : memref<512xi32, #tpu.memory_space<vmem>>, vector<16xi32>,
    %get3A_309 = arith.constant 400 : index
    %get3A_310 = tpu.vector_load %arg11[%get3A_309] {strides = array<i32>} : memref<512xi32, #tpu.memory_space<vmem>>, vector<16xi32>,
    %get3A_311 = vector.shape_cast %get3A_310 : vector<16xi32> to vector<16xi32>
    %add3A_312 = arith.constant 819200 : i32
    %add3A_313 = vector.broadcast %add3A_312 : i32 to vector<16xi32>
    %add3A_314 = arith.addi %get3A_311, %add3A_313 : vector<16xi32>
    %swap3A_315 = arith.constant 400 : index
    %swap3A_316 = tpu.vector_load %arg11[%swap3A_315] {strides = array<i32>} : memref<512xi32, #tpu.memory_space<vmem>>, vector<16xi32>,
    %swap3A_317 = vector.shape_cast %swap3A_316 : vector<16xi32> to vector<16xi32>
    %swap3A_318 = vector.shape_cast %add3A_314 : vector<16xi32> to vector<16xi32>
    tpu.vector_store %arg11[%swap3A_315], %swap3A_318 {strides = array<i32>} : memref<512xi32, #tpu.memory_space<vmem>>, vector<16xi32>,
    %get3A_319 = arith.constant 416 : index
    %get3A_320 = tpu.vector_load %arg11[%get3A_319] {strides = array<i32>} : memref<512xi32, #tpu.memory_space<vmem>>, vector<16xi32>,
    %get3A_321 = vector.shape_cast %get3A_320 : vector<16xi32> to vector<16xi32>
    %add3A_322 = arith.constant 819200 : i32
    %add3A_323 = vector.broadcast %add3A_322 : i32 to vector<16xi32>
    %add3A_324 = arith.addi %get3A_321, %add3A_323 : vector<16xi32>
    %swap3A_325 = arith.constant 416 : index
    %swap3A_326 = tpu.vector_load %arg11[%swap3A_325] {strides = array<i32>} : memref<512xi32, #tpu.memory_space<vmem>>, vector<16xi32>,
    %swap3A_327 = vector.shape_cast %swap3A_326 : vector<16xi32> to vector<16xi32>
    %swap3A_328 = vector.shape_cast %add3A_324 : vector<16xi32> to vector<16xi32>
    tpu.vector_store %arg11[%swap3A_325], %swap3A_328 {strides = array<i32>} : memref<512xi32, #tpu.memory_space<vmem>>, vector<16xi32>,
    %get3A_329 = arith.constant 432 : index
    %get3A_330 = tpu.vector_load %arg11[%get3A_329] {strides = array<i32>} : memref<512xi32, #tpu.memory_space<vmem>>, vector<16xi32>,
    %get3A_331 = vector.shape_cast %get3A_330 : vector<16xi32> to vector<16xi32>
    %add3A_332 = arith.constant 819200 : i32
    %add3A_333 = vector.broadcast %add3A_332 : i32 to vector<16xi32>
    %add3A_334 = arith.addi %get3A_331, %add3A_333 : vector<16xi32>
    %swap3A_335 = arith.constant 432 : index
    %swap3A_336 = tpu.vector_load %arg11[%swap3A_335] {strides = array<i32>} : memref<512xi32, #tpu.memory_space<vmem>>, vector<16xi32>,
    %swap3A_337 = vector.shape_cast %swap3A_336 : vector<16xi32> to vector<16xi32>
    %swap3A_338 = vector.shape_cast %add3A_334 : vector<16xi32> to vector<16xi32>
    tpu.vector_store %arg11[%swap3A_335], %swap3A_338 {strides = array<i32>} : memref<512xi32, #tpu.memory_space<vmem>>, vector<16xi32>,
    %get3A_339 = arith.constant 448 : index
    %get3A_340 = tpu.vector_load %arg11[%get3A_339] {strides = array<i32>} : memref<512xi32, #tpu.memory_space<vmem>>, vector<16xi32>,
    %get3A_341 = vector.shape_cast %get3A_340 : vector<16xi32> to vector<16xi32>
    %add3A_342 = arith.constant 819200 : i32
    %add3A_343 = vector.broadcast %add3A_342 : i32 to vector<16xi32>
    %add3A_344 = arith.addi %get3A_341, %add3A_343 : vector<16xi32>
    %swap3A_345 = arith.constant 448 : index
    %swap3A_346 = tpu.vector_load %arg11[%swap3A_345] {strides = array<i32>} : memref<512xi32, #tpu.memory_space<vmem>>, vector<16xi32>,
    %swap3A_347 = vector.shape_cast %swap3A_346 : vector<16xi32> to vector<16xi32>
    %swap3A_348 = vector.shape_cast %add3A_344 : vector<16xi32> to vector<16xi32>
    tpu.vector_store %arg11[%swap3A_345], %swap3A_348 {strides = array<i32>} : memref<512xi32, #tpu.memory_space<vmem>>, vector<16xi32>,
    %get3A_349 = arith.constant 464 : index
    %get3A_350 = tpu.vector_load %arg11[%get3A_349] {strides = array<i32>} : memref<512xi32, #tpu.memory_space<vmem>>, vector<16xi32>,
    %get3A_351 = vector.shape_cast %get3A_350 : vector<16xi32> to vector<16xi32>
    %add3A_352 = arith.constant 819200 : i32
    %add3A_353 = vector.broadcast %add3A_352 : i32 to vector<16xi32>
    %add3A_354 = arith.addi %get3A_351, %add3A_353 : vector<16xi32>
    %swap3A_355 = arith.constant 464 : index
    %swap3A_356 = tpu.vector_load %arg11[%swap3A_355] {strides = array<i32>} : memref<512xi32, #tpu.memory_space<vmem>>, vector<16xi32>,
    %swap3A_357 = vector.shape_cast %swap3A_356 : vector<16xi32> to vector<16xi32>
    %swap3A_358 = vector.shape_cast %add3A_354 : vector<16xi32> to vector<16xi32>
    tpu.vector_store %arg11[%swap3A_355], %swap3A_358 {strides = array<i32>} : memref<512xi32, #tpu.memory_space<vmem>>, vector<16xi32>,
    %get3A_359 = arith.constant 480 : index
    %get3A_360 = tpu.vector_load %arg11[%get3A_359] {strides = array<i32>} : memref<512xi32, #tpu.memory_space<vmem>>, vector<16xi32>,
    %get3A_361 = vector.shape_cast %get3A_360 : vector<16xi32> to vector<16xi32>
    %add3A_362 = arith.constant 819200 : i32
    %add3A_363 = vector.broadcast %add3A_362 : i32 to vector<16xi32>
    %add3A_364 = arith.addi %get3A_361, %add3A_363 : vector<16xi32>
    %swap3A_365 = arith.constant 480 : index
    %swap3A_366 = tpu.vector_load %arg11[%swap3A_365] {strides = array<i32>} : memref<512xi32, #tpu.memory_space<vmem>>, vector<16xi32>,
    %swap3A_367 = vector.shape_cast %swap3A_366 : vector<16xi32> to vector<16xi32>
    %swap3A_368 = vector.shape_cast %add3A_364 : vector<16xi32> to vector<16xi32>
    tpu.vector_store %arg11[%swap3A_365], %swap3A_368 {strides = array<i32>} : memref<512xi32, #tpu.memory_space<vmem>>, vector<16xi32>,
    %get3A_369 = arith.constant 496 : index
    %get3A_370 = tpu.vector_load %arg11[%get3A_369] {strides = array<i32>} : memref<512xi32, #tpu.memory_space<vmem>>, vector<16xi32>,
    %get3A_371 = vector.shape_cast %get3A_370 : vector<16xi32> to vector<16xi32>
    %add3A_372 = arith.constant 819200 : i32
    %add3A_373 = vector.broadcast %add3A_372 : i32 to vector<16xi32>
    %add3A_374 = arith.addi %get3A_371, %add3A_373 : vector<16xi32>
    %swap3A_375 = arith.constant 496 : index
    %swap3A_376 = tpu.vector_load %arg11[%swap3A_375] {strides = array<i32>} : memref<512xi32, #tpu.memory_space<vmem>>, vector<16xi32>,
    %swap3A_377 = vector.shape_cast %swap3A_376 : vector<16xi32> to vector<16xi32>
    %swap3A_378 = vector.shape_cast %add3A_374 : vector<16xi32> to vector<16xi32>
    tpu.vector_store %arg11[%swap3A_375], %swap3A_378 {strides = array<i32>} : memref<512xi32, #tpu.memory_space<vmem>>, vector<16xi32>,
    %add3A_379 = arith.constant 16384 : i32
    %add3A_380 = arith.addi %add3A_379, %mul3A_4 : i32
    %dma_start3A_381 = tpu.memref_slice %arg6[%add3A_380] : memref<32769xi32, #tpu.memory_space<hbm>> -> memref<512xi32, #tpu.memory_space<hbm>>
    %dma_start3A_382 = tpu.memref_slice %arg6[%add3A_380] : memref<32769xi32, #tpu.memory_space<hbm>> -> memref<512xi32, #tpu.memory_space<hbm>>
    tpu.enqueue_dma source(%arg11 : memref<512xi32, #tpu.memory_space<vmem>>) target(%dma_start3A_382 : memref<512xi32, #tpu.memory_space<hbm>>) target_semaphore(%arg19 : memref<!tpu.dma_semaphore, #tpu.memory_space<semaphore_mem>>)
    %eq3A = arith.constant 31 : i32
    %eq3A_383 = arith.cmpi eq, %add3A, %eq3A : i32
    %convert_element_type3A = arith.extui %eq3A_383 : i1 to i32
    %cond3A = arith.constant 0 : i32
    %cond3A_384 = arith.cmpi ne, %convert_element_type3A, %cond3A : i32
    scf.if %cond3A_384 {
      %broadcast_in_dim3A = arith.constant 1638400 : i32
      %broadcast_in_dim3A_461 = vector.broadcast %broadcast_in_dim3A : i32 to vector<16xi32>
      %swap3A_462 = arith.constant 0 : index
      %swap3A_463 = tpu.vector_load %arg12[%swap3A_462] {strides = array<i32>} : memref<16xi32, #tpu.memory_space<vmem>>, vector<16xi32>,
      %swap3A_464 = vector.shape_cast %swap3A_463 : vector<16xi32> to vector<16xi32>
      %swap3A_465 = vector.shape_cast %broadcast_in_dim3A_461 : vector<16xi32> to vector<16xi32>
      tpu.vector_store %arg12[%swap3A_462], %swap3A_465 {strides = array<i32>} : memref<16xi32, #tpu.memory_space<vmem>>, vector<16xi32>,
      "tpu.region"() ({
        %run_scoped3A = tpu.sem_alloc : memref<!tpu.dma_semaphore, #tpu.memory_space<semaphore_mem>>
        %dma_start3A_466 = arith.constant 0 : i32
        %dma_start3A_467 = tpu.memref_slice %arg12[%dma_start3A_466] : memref<16xi32, #tpu.memory_space<vmem>> -> memref<1xi32, #tpu.memory_space<vmem>>
        %dma_start3A_468 = arith.constant 32768 : i32
        %dma_start3A_469 = tpu.memref_slice %arg6[%dma_start3A_468] : memref<32769xi32, #tpu.memory_space<hbm>> -> memref<1xi32, #tpu.memory_space<hbm>>
        %dma_start3A_470 = arith.constant 32768 : i32
        %dma_start3A_471 = tpu.memref_slice %arg6[%dma_start3A_470] : memref<32769xi32, #tpu.memory_space<hbm>> -> memref<1xi32, #tpu.memory_space<hbm>>
        %dma_start3A_472 = arith.constant 0 : i32
        %dma_start3A_473 = tpu.memref_slice %arg12[%dma_start3A_472] : memref<16xi32, #tpu.memory_space<vmem>> -> memref<1xi32, #tpu.memory_space<vmem>>
        tpu.enqueue_dma source(%dma_start3A_473 : memref<1xi32, #tpu.memory_space<vmem>>) target(%dma_start3A_471 : memref<1xi32, #tpu.memory_space<hbm>>) target_semaphore(%run_scoped3A : memref<!tpu.dma_semaphore, #tpu.memory_space<semaphore_mem>>)
        %dma_wait3A_474 = arith.constant 0 : i32
        %dma_wait3A_475 = tpu.memref_slice %arg12[%dma_wait3A_474] : memref<16xi32, #tpu.memory_space<vmem>> -> memref<1xi32, #tpu.memory_space<vmem>>
        %dma_wait3A_476 = arith.constant 32768 : i32
        %dma_wait3A_477 = tpu.memref_slice %arg6[%dma_wait3A_476] : memref<32769xi32, #tpu.memory_space<hbm>> -> memref<1xi32, #tpu.memory_space<hbm>>
        %dma_wait3A_478 = arith.constant 32768 : i32
        %dma_wait3A_479 = tpu.memref_slice %arg6[%dma_wait3A_478] : memref<32769xi32, #tpu.memory_space<hbm>> -> memref<1xi32, #tpu.memory_space<hbm>>
        %dma_wait3A_480 = arith.constant 0 : i32
        %dma_wait3A_481 = tpu.memref_slice %arg12[%dma_wait3A_480] : memref<16xi32, #tpu.memory_space<vmem>> -> memref<1xi32, #tpu.memory_space<vmem>>
        tpu.wait_dma2 semaphore(%run_scoped3A : memref<!tpu.dma_semaphore, #tpu.memory_space<semaphore_mem>>) src(%dma_wait3A_481 : memref<1xi32, #tpu.memory_space<vmem>>) dst(%dma_wait3A_479 : memref<1xi32, #tpu.memory_space<hbm>>)
        tpu.yield
      }) : () -> ()
    } else {
    }
    %dma_wait3A_385 = arith.constant 0 : i32
    %dma_wait3A_386 = tpu.memref_slice %arg8[%dma_wait3A_385] : memref<25600xf32, #tpu.memory_space<vmem>> -> memref<12800xf32, #tpu.memory_space<vmem>>
    %dma_wait3A_387 = tpu.memref_slice %arg4[%add3A_9] : memref<819200xf32, #tpu.memory_space<hbm>> -> memref<12800xf32, #tpu.memory_space<hbm>>
    %dma_wait3A_388 = arith.constant 0 : i32
    %dma_wait3A_389 = tpu.memref_slice %arg8[%dma_wait3A_388] : memref<25600xf32, #tpu.memory_space<vmem>> -> memref<12800xf32, #tpu.memory_space<vmem>>
    %dma_wait3A_390 = tpu.memref_slice %arg4[%add3A_9] : memref<819200xf32, #tpu.memory_space<hbm>> -> memref<12800xf32, #tpu.memory_space<hbm>>
    tpu.wait_dma2 semaphore(%arg15 : memref<!tpu.dma_semaphore, #tpu.memory_space<semaphore_mem>>) src(%dma_wait3A_390 : memref<12800xf32, #tpu.memory_space<hbm>>) dst(%dma_wait3A_389 : memref<12800xf32, #tpu.memory_space<vmem>>)
    %dma_start3A_391 = arith.constant 0 : i32
    %dma_start3A_392 = tpu.memref_slice %arg8[%dma_start3A_391] : memref<25600xf32, #tpu.memory_space<vmem>> -> memref<12800xf32, #tpu.memory_space<vmem>>
    %dma_start3A_393 = tpu.memref_slice %arg7[%add3A_13] : memref<1638400xf32, #tpu.memory_space<hbm>> -> memref<12800xf32, #tpu.memory_space<hbm>>
    %dma_start3A_394 = tpu.memref_slice %arg7[%add3A_13] : memref<1638400xf32, #tpu.memory_space<hbm>> -> memref<12800xf32, #tpu.memory_space<hbm>>
    %dma_start3A_395 = arith.constant 0 : i32
    %dma_start3A_396 = tpu.memref_slice %arg8[%dma_start3A_395] : memref<25600xf32, #tpu.memory_space<vmem>> -> memref<12800xf32, #tpu.memory_space<vmem>>
    tpu.enqueue_dma source(%dma_start3A_396 : memref<12800xf32, #tpu.memory_space<vmem>>) target(%dma_start3A_394 : memref<12800xf32, #tpu.memory_space<hbm>>) target_semaphore(%arg19 : memref<!tpu.dma_semaphore, #tpu.memory_space<semaphore_mem>>)
    %dma_wait3A_397 = arith.constant 0 : i32
    %dma_wait3A_398 = tpu.memref_slice %arg9[%dma_wait3A_397] : memref<25600xf32, #tpu.memory_space<vmem>> -> memref<12800xf32, #tpu.memory_space<vmem>>
    %dma_wait3A_399 = tpu.memref_slice %arg5[%add3A_15] : memref<819200xf32, #tpu.memory_space<hbm>> -> memref<12800xf32, #tpu.memory_space<hbm>>
    %dma_wait3A_400 = arith.constant 0 : i32
    %dma_wait3A_401 = tpu.memref_slice %arg9[%dma_wait3A_400] : memref<25600xf32, #tpu.memory_space<vmem>> -> memref<12800xf32, #tpu.memory_space<vmem>>
    %dma_wait3A_402 = tpu.memref_slice %arg5[%add3A_15] : memref<819200xf32, #tpu.memory_space<hbm>> -> memref<12800xf32, #tpu.memory_space<hbm>>
    tpu.wait_dma2 semaphore(%arg16 : memref<!tpu.dma_semaphore, #tpu.memory_space<semaphore_mem>>) src(%dma_wait3A_402 : memref<12800xf32, #tpu.memory_space<hbm>>) dst(%dma_wait3A_401 : memref<12800xf32, #tpu.memory_space<vmem>>)
    %dma_start3A_403 = arith.constant 0 : i32
    %dma_start3A_404 = tpu.memref_slice %arg9[%dma_start3A_403] : memref<25600xf32, #tpu.memory_space<vmem>> -> memref<12800xf32, #tpu.memory_space<vmem>>
    %dma_start3A_405 = tpu.memref_slice %arg7[%add3A_19] : memref<1638400xf32, #tpu.memory_space<hbm>> -> memref<12800xf32, #tpu.memory_space<hbm>>
    %dma_start3A_406 = tpu.memref_slice %arg7[%add3A_19] : memref<1638400xf32, #tpu.memory_space<hbm>> -> memref<12800xf32, #tpu.memory_space<hbm>>
    %dma_start3A_407 = arith.constant 0 : i32
    %dma_start3A_408 = tpu.memref_slice %arg9[%dma_start3A_407] : memref<25600xf32, #tpu.memory_space<vmem>> -> memref<12800xf32, #tpu.memory_space<vmem>>
    tpu.enqueue_dma source(%dma_start3A_408 : memref<12800xf32, #tpu.memory_space<vmem>>) target(%dma_start3A_406 : memref<12800xf32, #tpu.memory_space<hbm>>) target_semaphore(%arg19 : memref<!tpu.dma_semaphore, #tpu.memory_space<semaphore_mem>>)
    %dma_wait3A_409 = arith.constant 12800 : i32
    %dma_wait3A_410 = tpu.memref_slice %arg8[%dma_wait3A_409] : memref<25600xf32, #tpu.memory_space<vmem>> -> memref<12800xf32, #tpu.memory_space<vmem>>
    %dma_wait3A_411 = tpu.memref_slice %arg4[%add3A_21] : memref<819200xf32, #tpu.memory_space<hbm>> -> memref<12800xf32, #tpu.memory_space<hbm>>
    %dma_wait3A_412 = arith.constant 12800 : i32
    %dma_wait3A_413 = tpu.memref_slice %arg8[%dma_wait3A_412] : memref<25600xf32, #tpu.memory_space<vmem>> -> memref<12800xf32, #tpu.memory_space<vmem>>
    %dma_wait3A_414 = tpu.memref_slice %arg4[%add3A_21] : memref<819200xf32, #tpu.memory_space<hbm>> -> memref<12800xf32, #tpu.memory_space<hbm>>
    tpu.wait_dma2 semaphore(%arg17 : memref<!tpu.dma_semaphore, #tpu.memory_space<semaphore_mem>>) src(%dma_wait3A_414 : memref<12800xf32, #tpu.memory_space<hbm>>) dst(%dma_wait3A_413 : memref<12800xf32, #tpu.memory_space<vmem>>)
    %dma_start3A_415 = arith.constant 12800 : i32
    %dma_start3A_416 = tpu.memref_slice %arg8[%dma_start3A_415] : memref<25600xf32, #tpu.memory_space<vmem>> -> memref<12800xf32, #tpu.memory_space<vmem>>
    %dma_start3A_417 = tpu.memref_slice %arg7[%add3A_25] : memref<1638400xf32, #tpu.memory_space<hbm>> -> memref<12800xf32, #tpu.memory_space<hbm>>
    %dma_start3A_418 = tpu.memref_slice %arg7[%add3A_25] : memref<1638400xf32, #tpu.memory_space<hbm>> -> memref<12800xf32, #tpu.memory_space<hbm>>
    %dma_start3A_419 = arith.constant 12800 : i32
    %dma_start3A_420 = tpu.memref_slice %arg8[%dma_start3A_419] : memref<25600xf32, #tpu.memory_space<vmem>> -> memref<12800xf32, #tpu.memory_space<vmem>>
    tpu.enqueue_dma source(%dma_start3A_420 : memref<12800xf32, #tpu.memory_space<vmem>>) target(%dma_start3A_418 : memref<12800xf32, #tpu.memory_space<hbm>>) target_semaphore(%arg19 : memref<!tpu.dma_semaphore, #tpu.memory_space<semaphore_mem>>)
    %dma_wait3A_421 = arith.constant 12800 : i32
    %dma_wait3A_422 = tpu.memref_slice %arg9[%dma_wait3A_421] : memref<25600xf32, #tpu.memory_space<vmem>> -> memref<12800xf32, #tpu.memory_space<vmem>>
    %dma_wait3A_423 = tpu.memref_slice %arg5[%add3A_27] : memref<819200xf32, #tpu.memory_space<hbm>> -> memref<12800xf32, #tpu.memory_space<hbm>>
    %dma_wait3A_424 = arith.constant 12800 : i32
    %dma_wait3A_425 = tpu.memref_slice %arg9[%dma_wait3A_424] : memref<25600xf32, #tpu.memory_space<vmem>> -> memref<12800xf32, #tpu.memory_space<vmem>>
    %dma_wait3A_426 = tpu.memref_slice %arg5[%add3A_27] : memref<819200xf32, #tpu.memory_space<hbm>> -> memref<12800xf32, #tpu.memory_space<hbm>>
    tpu.wait_dma2 semaphore(%arg18 : memref<!tpu.dma_semaphore, #tpu.memory_space<semaphore_mem>>) src(%dma_wait3A_426 : memref<12800xf32, #tpu.memory_space<hbm>>) dst(%dma_wait3A_425 : memref<12800xf32, #tpu.memory_space<vmem>>)
    %dma_start3A_427 = arith.constant 12800 : i32
    %dma_start3A_428 = tpu.memref_slice %arg9[%dma_start3A_427] : memref<25600xf32, #tpu.memory_space<vmem>> -> memref<12800xf32, #tpu.memory_space<vmem>>
    %dma_start3A_429 = tpu.memref_slice %arg7[%add3A_31] : memref<1638400xf32, #tpu.memory_space<hbm>> -> memref<12800xf32, #tpu.memory_space<hbm>>
    %dma_start3A_430 = tpu.memref_slice %arg7[%add3A_31] : memref<1638400xf32, #tpu.memory_space<hbm>> -> memref<12800xf32, #tpu.memory_space<hbm>>
    %dma_start3A_431 = arith.constant 12800 : i32
    %dma_start3A_432 = tpu.memref_slice %arg9[%dma_start3A_431] : memref<25600xf32, #tpu.memory_space<vmem>> -> memref<12800xf32, #tpu.memory_space<vmem>>
    tpu.enqueue_dma source(%dma_start3A_432 : memref<12800xf32, #tpu.memory_space<vmem>>) target(%dma_start3A_430 : memref<12800xf32, #tpu.memory_space<hbm>>) target_semaphore(%arg19 : memref<!tpu.dma_semaphore, #tpu.memory_space<semaphore_mem>>)
    %dma_wait3A_433 = tpu.memref_slice %arg6[%mul3A_4] : memref<32769xi32, #tpu.memory_space<hbm>> -> memref<512xi32, #tpu.memory_space<hbm>>
    %dma_wait3A_434 = tpu.memref_slice %arg6[%mul3A_4] : memref<32769xi32, #tpu.memory_space<hbm>> -> memref<512xi32, #tpu.memory_space<hbm>>
    tpu.wait_dma2 semaphore(%arg19 : memref<!tpu.dma_semaphore, #tpu.memory_space<semaphore_mem>>) src(%arg10 : memref<512xi32, #tpu.memory_space<vmem>>) dst(%dma_wait3A_434 : memref<512xi32, #tpu.memory_space<hbm>>)
    %dma_wait3A_435 = tpu.memref_slice %arg6[%add3A_380] : memref<32769xi32, #tpu.memory_space<hbm>> -> memref<512xi32, #tpu.memory_space<hbm>>
    %dma_wait3A_436 = tpu.memref_slice %arg6[%add3A_380] : memref<32769xi32, #tpu.memory_space<hbm>> -> memref<512xi32, #tpu.memory_space<hbm>>
    tpu.wait_dma2 semaphore(%arg19 : memref<!tpu.dma_semaphore, #tpu.memory_space<semaphore_mem>>) src(%arg11 : memref<512xi32, #tpu.memory_space<vmem>>) dst(%dma_wait3A_436 : memref<512xi32, #tpu.memory_space<hbm>>)
    %dma_wait3A_437 = arith.constant 0 : i32
    %dma_wait3A_438 = tpu.memref_slice %arg8[%dma_wait3A_437] : memref<25600xf32, #tpu.memory_space<vmem>> -> memref<12800xf32, #tpu.memory_space<vmem>>
    %dma_wait3A_439 = tpu.memref_slice %arg7[%add3A_13] : memref<1638400xf32, #tpu.memory_space<hbm>> -> memref<12800xf32, #tpu.memory_space<hbm>>
    %dma_wait3A_440 = tpu.memref_slice %arg7[%add3A_13] : memref<1638400xf32, #tpu.memory_space<hbm>> -> memref<12800xf32, #tpu.memory_space<hbm>>
    %dma_wait3A_441 = arith.constant 0 : i32
    %dma_wait3A_442 = tpu.memref_slice %arg8[%dma_wait3A_441] : memref<25600xf32, #tpu.memory_space<vmem>> -> memref<12800xf32, #tpu.memory_space<vmem>>
    tpu.wait_dma2 semaphore(%arg19 : memref<!tpu.dma_semaphore, #tpu.memory_space<semaphore_mem>>) src(%dma_wait3A_442 : memref<12800xf32, #tpu.memory_space<vmem>>) dst(%dma_wait3A_440 : memref<12800xf32, #tpu.memory_space<hbm>>)
    %dma_wait3A_443 = arith.constant 0 : i32
    %dma_wait3A_444 = tpu.memref_slice %arg9[%dma_wait3A_443] : memref<25600xf32, #tpu.memory_space<vmem>> -> memref<12800xf32, #tpu.memory_space<vmem>>
    %dma_wait3A_445 = tpu.memref_slice %arg7[%add3A_19] : memref<1638400xf32, #tpu.memory_space<hbm>> -> memref<12800xf32, #tpu.memory_space<hbm>>
    %dma_wait3A_446 = tpu.memref_slice %arg7[%add3A_19] : memref<1638400xf32, #tpu.memory_space<hbm>> -> memref<12800xf32, #tpu.memory_space<hbm>>
    %dma_wait3A_447 = arith.constant 0 : i32
    %dma_wait3A_448 = tpu.memref_slice %arg9[%dma_wait3A_447] : memref<25600xf32, #tpu.memory_space<vmem>> -> memref<12800xf32, #tpu.memory_space<vmem>>
    tpu.wait_dma2 semaphore(%arg19 : memref<!tpu.dma_semaphore, #tpu.memory_space<semaphore_mem>>) src(%dma_wait3A_448 : memref<12800xf32, #tpu.memory_space<vmem>>) dst(%dma_wait3A_446 : memref<12800xf32, #tpu.memory_space<hbm>>)
    %dma_wait3A_449 = arith.constant 12800 : i32
    %dma_wait3A_450 = tpu.memref_slice %arg8[%dma_wait3A_449] : memref<25600xf32, #tpu.memory_space<vmem>> -> memref<12800xf32, #tpu.memory_space<vmem>>
    %dma_wait3A_451 = tpu.memref_slice %arg7[%add3A_25] : memref<1638400xf32, #tpu.memory_space<hbm>> -> memref<12800xf32, #tpu.memory_space<hbm>>
    %dma_wait3A_452 = tpu.memref_slice %arg7[%add3A_25] : memref<1638400xf32, #tpu.memory_space<hbm>> -> memref<12800xf32, #tpu.memory_space<hbm>>
    %dma_wait3A_453 = arith.constant 12800 : i32
    %dma_wait3A_454 = tpu.memref_slice %arg8[%dma_wait3A_453] : memref<25600xf32, #tpu.memory_space<vmem>> -> memref<12800xf32, #tpu.memory_space<vmem>>
    tpu.wait_dma2 semaphore(%arg19 : memref<!tpu.dma_semaphore, #tpu.memory_space<semaphore_mem>>) src(%dma_wait3A_454 : memref<12800xf32, #tpu.memory_space<vmem>>) dst(%dma_wait3A_452 : memref<12800xf32, #tpu.memory_space<hbm>>)
    %dma_wait3A_455 = arith.constant 12800 : i32
    %dma_wait3A_456 = tpu.memref_slice %arg9[%dma_wait3A_455] : memref<25600xf32, #tpu.memory_space<vmem>> -> memref<12800xf32, #tpu.memory_space<vmem>>
    %dma_wait3A_457 = tpu.memref_slice %arg7[%add3A_31] : memref<1638400xf32, #tpu.memory_space<hbm>> -> memref<12800xf32, #tpu.memory_space<hbm>>
    %dma_wait3A_458 = tpu.memref_slice %arg7[%add3A_31] : memref<1638400xf32, #tpu.memory_space<hbm>> -> memref<12800xf32, #tpu.memory_space<hbm>>
    %dma_wait3A_459 = arith.constant 12800 : i32
    %dma_wait3A_460 = tpu.memref_slice %arg9[%dma_wait3A_459] : memref<25600xf32, #tpu.memory_space<vmem>> -> memref<12800xf32, #tpu.memory_space<vmem>>
    tpu.wait_dma2 semaphore(%arg19 : memref<!tpu.dma_semaphore, #tpu.memory_space<semaphore_mem>>) src(%dma_wait3A_460 : memref<12800xf32, #tpu.memory_space<vmem>>) dst(%dma_wait3A_458 : memref<12800xf32, #tpu.memory_space<hbm>>)
    return
  }
}

module attributes {stable_mosaic.version = 14 : i64} {
  func.func @_tc_concat_body(%arg0: i32, %arg1: memref<204800xi32, #tpu.memory_space<vmem>>, %arg2: memref<204800xi32, #tpu.memory_space<vmem>>, %arg3: memref<204800xi32, #tpu.memory_space<vmem>>) attributes {dimension_semantics = [#tpu.dimension_semantics<arbitrary>], iteration_bounds = array<i64: 8>, scalar_prefetch = 0 : i64, scratch_operands = 0 : i64, tpu.core_type = #tpu.core_type<tc>, window_params = [{transform_indices = @transform_0, window_bounds = array<i64: 204800>}, {transform_indices = @transform_1, window_bounds = array<i64: 204800>}, {transform_indices = @transform_2, window_bounds = array<i64: 204800>}]} {
    %lt3A = arith.constant 4 : i32
    %lt3A_0 = arith.cmpi slt, %arg0, %lt3A : i32
    %convert_element_type3A = arith.extui %lt3A_0 : i1 to i32
    %cond3A = arith.constant 0 : i32
    %cond3A_1 = arith.cmpi ne, %convert_element_type3A, %cond3A : i32
    scf.if %cond3A_1 {
      %get3A = arith.constant 0 : index
      %get3A_6 = vector.load %arg1[%get3A] : memref<204800xi32, #tpu.memory_space<vmem>>, vector<204800xi32>
      %swap3A = arith.constant 0 : index
      %swap3A_7 = vector.load %arg3[%swap3A] : memref<204800xi32, #tpu.memory_space<vmem>>, vector<204800xi32>
      tpu.vector_store %arg3[%swap3A], %get3A_6 {strides = array<i32>} : memref<204800xi32, #tpu.memory_space<vmem>>, vector<204800xi32>,
    } else {
    }
    %ge3A = arith.constant 4 : i32
    %ge3A_2 = arith.cmpi sge, %arg0, %ge3A : i32
    %convert_element_type3A_3 = arith.extui %ge3A_2 : i1 to i32
    %cond3A_4 = arith.constant 0 : i32
    %cond3A_5 = arith.cmpi ne, %convert_element_type3A_3, %cond3A_4 : i32
    scf.if %cond3A_5 {
      %get3A = arith.constant 0 : index
      %get3A_6 = vector.load %arg2[%get3A] : memref<204800xi32, #tpu.memory_space<vmem>>, vector<204800xi32>
      %swap3A = arith.constant 0 : index
      %swap3A_7 = vector.load %arg3[%swap3A] : memref<204800xi32, #tpu.memory_space<vmem>>, vector<204800xi32>
      tpu.vector_store %arg3[%swap3A], %get3A_6 {strides = array<i32>} : memref<204800xi32, #tpu.memory_space<vmem>>, vector<204800xi32>,
    } else {
    }
    return
  }
  func.func @transform_0(%arg0: i32) -> i32 {
    %min3A = arith.constant 3 : i32
    %min3A_0 = arith.minsi %arg0, %min3A : i32
    %c0_i32 = arith.constant 0 : i32
    return %min3A_0 : i32
  }
  func.func @transform_1(%arg0: i32) -> i32 {
    %sub3A = arith.constant 4 : i32
    %sub3A_0 = arith.subi %arg0, %sub3A : i32
    %max3A = arith.constant 0 : i32
    %max3A_1 = arith.maxsi %sub3A_0, %max3A : i32
    %c0_i32 = arith.constant 0 : i32
    return %max3A_1 : i32
  }
  func.func @transform_2(%arg0: i32) -> i32 {
    %c0_i32 = arith.constant 0 : i32
    return %arg0 : i32
  }
}

</mosaic_0001>

<sc_bundles>
// kernel: kernel.4.cloned.1.call-start
scs
__scs_entry_jumppad:
0x0: {  	(pc) =	sbr.rel $0x88, $3  }
0x1: {  	(tag) =	ssettag $0x0;
	lr =	simm.s32 $0x1  }
0x2: {  	[smem:$0x3F9B] =	sst lr;
	_ =	strace $0xD0000000  }
0x3: {  	_ = 	snop  }
0x4: {  	_ = 	snop  }
0x5: {  	_ = 	snop  }
0x6: {  	_ = 	snop  }
0x7: {  	_ = 	snop  }
__scs_overlays_trampoline_lowered:
0x8: {  	[smem:$0x3FAA] =	sst s0  }
0x9: {  	[smem:$0x3FAB] =	sst s1  }
0xa: {  	[smem:$0x3FAC] =	sst s2  }
0xb: {  	[smem:$0x3FAD] =	sst s3  }
0xc: {  	[smem:$0x3FAE] =	sst s4  }
0xd: {  	[smem:$0x3FAF] =	sst s5  }
0xe: {  	[smem:$0x3FB0] =	sst s6  }
0xf: {  	[smem:$0x3FB1] =	sst s7  }
0x10: {  	[smem:$0x3FB2] =	sst s8  }
0x11: {  	[smem:$0x3FB3] =	sst s9;
	s0 =	simm.s32 @!p0 $0x0  }
0x12: {  	s1 =	sld [smem:$0x3F99];
	s0 =	simm.s32 @p0 $0x1  }
0x13: {  	[smem:$0x3FB4] =	sst s0;
	s0 =	simm.s32 @!p1 $0x0  }
0x14: {  	s2 =	sld [smem:$0x3F98];
	s0 =	simm.s32 @p1 $0x1  }
0x15: {  	[smem:$0x3FB5] =	sst s0;
	s0 =	simm.s32 @!p2 $0x0  }
0x16: {  	s3 =	sld [smem:$0x3FDB];
	s0 =	simm.s32 @p2 $0x1  }
0x17: {  	s4 =	simm.s32 $0x1BF5;
	[smem:$0x3FB7] =	sst s0  }
0x18: {  	s0 =	sld [smem:$0x3F9A];
	_ =	swait.ge [sflag:s4], $0x0  }
0x19: {  	s7 =	sld [smem:$0x3F9B]  }
0x1a: {  	s8 =	sadd.s32 $0xFFFFE003, lr  }
0x1b: {  	s9 =	sadd.s32 $0xFFFFFEF7, lr;
	s5 =	simm.s32 $0xFFFFFFFF;
	p2 =	slt.u32 s8, $0xFFFFF086  }
0x1c: {  	p1 =	slt.u32 s9, $0xF7A;
	s5 =	simm.s32 @!p2 $0x0  }
0x1d: {  	s5 =	simm.s32 @p1 $0x1;
	p0 =	seq.s32 s7, s2  }
0x1e: {  	s7 =	smul.u32 @!p0 $0xF7A, s2;
	p2 =	seq.s32 @!p0 s5, $0x0  }
0x1f: {  	s9 =	smul.u32 $0xF7A, s1;
	s8 =	simm.s32 @!p0 $0x1BF5;
	p2 =	por !p2, p0  }
0x20: {  	[sflag:s8] =	ssyncset.s32 @!p0 $0xFFFFF086;
	s6 =	sadd.s32 @!p0 s3, s7;
	s7 =	simm.s32 @!p0 $0x108  }
0x21: {  	s3 =	sadd.s32 s3, s9;
	s6 =	sadd.s32 @!p0 $0x88, s6;
	s7 =	simm.s32 @p2 $0x1082  }
0x22: {  	[simem:s7], [sflag:s8] =	dma.local @!p0 [hbm:s6], $0xF7A  }
0x23: {  	s9 =	sor.u32 $0xD0000000, s2;
	s6 =	simm.s32 $0x108;
	_ =	swait.ge @!p0 [sflag:s8], $0x0  }
0x24: {  	s3 =	sadd.s32 $0x88, s3;
	s6 =	simm.s32 @!p1 $0x1082;
	[sflag:s4] =	ssyncset.s32 $0xFFFFF086  }
0x25: {  	[simem:s6], [sflag:s4] =	dma.local [hbm:s3], $0xF7A  }
0x26: {  	[smem:$0x3F9B] =	sst s1;
	(tag) =	ssettag s2;
	_ =	strace s9  }
0x27: {  	s1 =	sld [smem:$0x3FAB]  }
0x28: {  	s2 =	sld [smem:$0x3FAC]  }
0x29: {  	s4 =	sld [smem:$0x3FAE]  }
0x2a: {  	p0 =	seq.s32 s5, $0x0;
	s5 =	sld [smem:$0x3FAF]  }
0x2b: {  	s6 =	sld [smem:$0x3FB0]  }
0x2c: {  	s7 =	sld [smem:$0x3FB1]  }
0x2d: {  	s3 =	simm.s32 $0x108;
	s8 =	sld [smem:$0x3FB2]  }
0x2e: {  	s3 =	simm.s32 @!p0 $0x1082;
	s9 =	sld [smem:$0x3FB3]  }
0x2f: {  	lr =	sadd.s32 s0, s3;
	s0 =	sld [smem:$0x3FAA]  }
0x30: {  	s3 =	sld [smem:$0x3FAD]  }
0x31: {  	[smem:$0x3FB6] =	sst s10  }
0x32: {  	s10 =	sld [smem:$0x3FB4];
	_ =	sdelay $0x3  }
0x33: {  	p0 =	seq.s32 s10, $0x1;
	s10 =	sld [smem:$0x3FB6];
	_ =	sdelay $0x3  }
0x34: {  	[smem:$0x3FB6] =	sst s10  }
0x35: {  	s10 =	sld [smem:$0x3FB5];
	_ =	sdelay $0x3  }
0x36: {  	p1 =	seq.s32 s10, $0x1;
	s10 =	sld [smem:$0x3FB6];
	_ =	sdelay $0x3  }
0x37: {  	[smem:$0x3FB6] =	sst s10  }
0x38: {  	s10 =	sld [smem:$0x3FB7]  }
0x39: {  	_ = 	snop;
	(pc) =	sbr.ind lr, $3  }
0x3a: {  	_ = 	snop  }
0x3b: {  	_ = 	snop  }
0x3c: {  	p2 =	seq.s32 s10, $0x1;
	s10 =	sld [smem:$0x3FB6]  }
0x3d: {  	_ =	shalt  }
0x3e: {  	_ =	shalt  }
0x3f: {  	_ =	shalt  }
0x40: {  	_ =	shalt  }
0x41: {  	_ =	shalt  }
0x42: {  	_ =	shalt  }
0x43: {  	_ =	shalt  }
0x44: {  	_ =	shalt  }
0x45: {  	_ =	shalt  }
0x46: {  	_ =	shalt  }
0x47: {  	_ =	shalt  }
0x48: {  	_ =	shalt  }
0x49: {  	_ =	shalt  }
0x4a: {  	_ =	shalt  }
0x4b: {  	_ =	shalt  }
0x4c: {  	_ =	shalt  }
0x4d: {  	_ =	shalt  }
0x4e: {  	_ =	shalt  }
0x4f: {  	_ =	shalt  }
0x50: {  	_ =	shalt  }
0x51: {  	_ =	shalt  }
0x52: {  	_ =	shalt  }
0x53: {  	_ =	shalt  }
0x54: {  	_ =	shalt  }
0x55: {  	_ =	shalt  }
0x56: {  	_ =	shalt  }
0x57: {  	_ =	shalt  }
0x58: {  	_ =	shalt  }
0x59: {  	_ =	shalt  }
0x5a: {  	_ =	shalt  }
0x5b: {  	_ =	shalt  }
0x5c: {  	_ =	shalt  }
0x5d: {  	_ =	shalt  }
0x5e: {  	_ =	shalt  }
0x5f: {  	_ =	shalt  }
0x60: {  	_ =	shalt  }
0x61: {  	_ =	shalt  }
0x62: {  	_ =	shalt  }
0x63: {  	_ =	shalt  }
0x64: {  	_ =	shalt  }
0x65: {  	_ =	shalt  }
0x66: {  	_ =	shalt  }
0x67: {  	_ =	shalt  }
0x68: {  	_ =	shalt  }
0x69: {  	_ =	shalt  }
0x6a: {  	_ =	shalt  }
0x6b: {  	_ =	shalt  }
0x6c: {  	_ =	shalt  }
0x6d: {  	_ =	shalt  }
0x6e: {  	_ =	shalt  }
0x6f: {  	_ =	shalt  }
0x70: {  	_ =	shalt  }
0x71: {  	_ =	shalt  }
0x72: {  	_ =	shalt  }
0x73: {  	_ =	shalt  }
0x74: {  	_ =	shalt  }
0x75: {  	_ =	shalt  }
0x76: {  	_ =	shalt  }
0x77: {  	_ =	shalt  }
0x78: {  	_ =	shalt  }
0x79: {  	_ =	shalt  }
0x7a: {  	_ =	shalt  }
0x7b: {  	_ =	shalt  }
0x7c: {  	_ =	shalt  }
0x7d: {  	_ =	shalt  }
0x7e: {  	_ =	shalt  }
0x7f: {  	_ =	shalt  }
0x80: {  	_ =	shalt  }
0x81: {  	_ =	shalt  }
0x82: {  	_ =	shalt  }
0x83: {  	_ =	shalt  }
0x84: {  	_ =	shalt  }
0x85: {  	_ =	shalt  }
0x86: {  	_ =	shalt  }
0x87: {  	_ =	shalt  }
.Lfunc_end0:
.L_simem_size_0:
called_computation_lowered:
.L_overlay_start_0:
0x88: {  	s2 =	sld [smem:$0x3FD9]  }
0x89: {  	s3 =	sld [smem:$0x3FFE];
	_ =	sdelay $0x1  }
0x8a: {  	s1 =	srdreg.scid  }
0x8b: {  	s0 =	sand.u32 $0x1, s1  }
0x8c: {  	s15 =	sshll.u32 s0, $0xA;
	s2 =	sadd.s32 s3, s2  }
0x8d: {  	s2 =	sadd.s32 s2, s15  }
0x8e: {  	[smem:$0x3FC2] =	sst s2  }
0x8f: {  	_ = 	snop  }
0x90: {  	s2 =	sld [smem:$0x3FC7]  }
0x91: {  	s16 =	sld [smem:$0x3FD0]  }
0x92: {  	s4 =	sld [smem:$0x3FC6]  }
0x93: {  	s5 =	sld [smem:$0x3FC5]  }
0x94: {  	s7 =	simm.s32 $0xA;
	s8 =	simm.s32 $0x10;
	s6 =	sld [smem:$0x3FC4]  }
0x95: {  	[smem:s8], [sflag:s7] =	dma.local [hbm:s16], $0x1  }
0x96: {  	_ =	swait.eq [sflag:s7], $0x1  }
0x97: {  	[sflag:s7] =	ssyncset.done $0x0  }
0x98: {  	s17 =	sld [smem:$0x11];
	[sflag:s7] =	ssyncadd.s32 $0xFFFFFFFF  }
0x99: {  	s18 =	sld [smem:$0x12];
	(tm) =	ssettm $0x1  }
0x9a: {  	s19 =	sld [smem:$0x3FFB];
	_ =	sdelay $0x3  }
0x9b: {  	_ =	strace s19  }
0x9c: {  	s8 =	sld [smem:$0x3FFC];
	_ =	sdelay $0x3  }
0x9d: {  	_ =	strace s8  }
0x9e: {  	s8 =	sld [smem:$0x3FFD];
	_ =	sdelay $0x3  }
0x9f: {  	_ =	strace s8  }
0xa0: {  	_ =	strace $0x8FFFFFFF  }
0xa1: {  	s20 =	sld [smem:$0x3FDB];
	_ =	sdelay $0x1  }
0xa2: {  	s9 =	simm.s32 $_scs_section_size  }
0xa3: {  	s10 =	simm.s32 $_size__tile_overlayer_lowered;
	s11 =	simm.s32 $_tile_overlayer_lowered  }
0xa4: {  	s23 =	simm.s32 $0x1BFF;
	s22 =	sshll.u32 s11, $0x1;
	s8 =	sadd.s32 s9, s20  }
0xa5: {  	s12 =	simm.s32 $0x0;
	s21 =	sshll.u32 s10, $0x1;
	s10 =	sadd.s32 s22, s8  }
0xa6: {  	[timem:s12], [sflag:s23] =	dma.local [hbm:s10], s21  }
0xa7: {  	_ =	swait.ge [sflag:s23], s21  }
0xa8: {  	s9 =	ssub.s32 $0x0, s21;
	[sflag:s23] =	ssyncset.done $0x0  }
0xa9: {  	[sflag:s23] =	ssyncadd.s32 s9;
	_ =	sdelay $0x1  }
0xaa: {  	s24 =	simm.s32 $0x1B8B  }
0xab: {  	_ =	swait.ge [sflag:s24], $0x1  }
0xac: {  	[sflag:s24] =	ssyncset.done $0x0  }
0xad: {  	s25 =	simm.s32 $0x1B8E;
	[sflag:s24] =	ssyncadd.s32 $0xFFFFFFFF  }
0xae: {  	s26 =	simm.s32 $execute0_lowered;
	[smem:$0x3FD2] =	sst s25  }
0xaf: {  	s9 =	sshll.u32 s26, $0x1;
	_ =	strace $0x80000046;
	[dreg:$0x1] =	wrdreg $0xFFFFFFFF  }
0xb0: {  	s28 =	simm.s32 $_size_execute0_lowered;
	s8 =	sadd.s32 s8, s9;
	[dreg:$0x0] =	wrdreg $0x0  }
0xb1: {  	s9 =	sshll.u32 s28, $0x1;
	[dreg:$0x2] =	wrdreg s8  }
0xb2: {  	[dreg:$0x3] =	wrdreg s9  }
0xb3: {  	[dreg:$0x4] =	wrdreg $0xC0  }
0xb4: {  	_ =	task [dreg:s12], $0x5FFFF  }
0xb5: {  	[dreg:$0x1] =	wrdreg $0xFFFFFFFF  }
0xb6: {  	[dreg:$0x0] =	wrdreg $0x60  }
0xb7: {  	[dreg:$0x2] =	wrdreg s2  }
0xb8: {  	[dreg:$0x3] =	wrdreg s4  }
0xb9: {  	[dreg:$0x4] =	wrdreg s5  }
0xba: {  	[dreg:$0x5] =	wrdreg s6  }
0xbb: {  	[dreg:$0x6] =	wrdreg s17  }
0xbc: {  	[dreg:$0x7] =	wrdreg s18  }
0xbd: {  	[dreg:$0x8] =	wrdreg $0x9  }
0xbe: {  	_ =	task.clear_ibuf [dreg:s12], $0x9FFFF;
	_ =	strace $0x90000046  }
0xbf: {  	s29 =	simm.s32 $0x9;
	_ =	strace $0x80000048  }
0xc0: {  	_ =	swait.ge [sflag:s29], $0x1  }
0xc1: {  	[sflag:s29] =	ssyncadd.s32 $0xFFFFFFFF  }
0xc2: {  	_ =	strace $0x90000048  }
0xc3: {  	_ =	sfence  }
0xc4: {  	s30 =	sld [smem:$0x0];
	_ =	sdelay $0x2  }
0xc5: {  	s31 =	sshll.u32 s1, $0xD;
	s1 =	sshrl.u32 s1, $0x2  }
0xc6: {  	s3 =	sand.u32 $0x4000, s31;
	s1 =	sadd.s32 s1, s30  }
0xc7: {  	s0 =	sor.u32 s3, s0;
	s1 =	sshll.u32 s1, $0x11  }
0xc8: {  	s0 =	sor.u32 s1, s0  }
0xc9: {  	s0 =	sadd.s32 $0x8F2B, s0  }
0xca: {  	[sflag:s0] =	ssyncadd.remote.s32 $0x1  }
0xcb: {  	_ =	sfence.sel $0xFFFF  }
0xcc: {  	[dreg:$0x0] =	wrdreg $0xFFFFFFFF;
	(pc) =	sbr.abs _section_cstart, $3  }
0xcd: {  	[dreg:$0x1] =	wrdreg $0xFFFFFFFF  }
0xce: {  	_ =	task.clear_ibuf [dreg:s12], $0x2FFFF;
	_ =	strace $0x9FFFFFFF  }
0xcf: {  	(tm) =	ssettm $0x7FFFFFFF  }
tec
execute0_lowered:
.L_overlay_start_1:
0x0: {  	(tag) =	ssettag $0x1  }
0x1: {  	s3 =	rddreg [dreg:$0x0]  }
0x2: {  	s4 =	rddreg [dreg:$0x1]  }
0x3: {  	s6 =	rddreg [dreg:$0x2]  }
0x4: {  	s1 =	srdreg.scid;
	s0 =	stileid.u32  }
0x5: {  	s12 =	rddreg [dreg:$0x3];
	s17 =	sand.u32 $0x1, s1;
	s5 =	sshll.u32 s0, $0x1  }
0x6: {  	s18 =	rddreg [dreg:$0x4];
	s19 =	sor.u32 s17, s5  }
0x7: {  	s16 =	rddreg [dreg:$0x5];
	s2 =	simm.s32 $0x0;
	s14 =	sshll.u32 s19, $0x6  }
0x8: {  	[smem:$0x7FF] =	sst s2;
	s3 =	sadd.s32 s3, s14  }
0x9: {  	_ =	strace $0x80000047;
	[dreg:$0x7] =	wrdreg s3  }
0xa: {  	s7 =	smul.u32 $0x6400, s19;
	s3 =	simm.s32 $0xC800;
	s25 =	rddreg [dreg:$0x7]  }
0xb: {  	[tilespmem:s3], [sflag:$0x1] =	stream.linear.gather [hbm4b:s25+s2], $0x200, $0x38;
	[tilespmem:$0xCC80] =	vst v63  }
0xc: {  	s8 =	simm.s32 $0xCA00;
	s5 =	sadd.s32 s4, s14;
	s23 =	sshrl.u32 s7, $0x3  }
0xd: {  	[tilespmem:s8], [sflag:$0x2] =	stream.linear.gather [hbm4b:s5+s2], $0x200, $0x38;
	[tilespmem:$0xCC80] =	vst v63  }
0xe: {  	s9 =	sadd.s32 s6, s23  }
0xf: {  	[tilespmem:s2], [sflag:$0x3] =	stream.linear.gather [hbm4b:s9+s2], $0x3200, $0x38;
	[tilespmem:$0xCC80] =	vst v63  }
0x10: {  	s7 =	simm.s32 $0x6400;
	s10 =	sadd.s32 s12, s23;
	s24 =	sadd.s32 $0x640, s23  }
0x11: {  	[tilespmem:s7], [sflag:$0x4] =	stream.linear.gather [hbm4b:s10+s2], $0x3200, $0x38;
	[tilespmem:$0xCC80] =	vst v63  }
0x12: {  	s11 =	sadd.s32 s6, s24;
	s6 =	simm.s32 $0x3200  }
0x13: {  	[tilespmem:s6], [sflag:$0x5] =	stream.linear.gather [hbm4b:s11+s2], $0x3200, $0x38;
	[tilespmem:$0xCC80] =	vst v63  }
0x14: {  	s13 =	simm.s32 $0x1;
	s4 =	simm.s32 $0x9600;
	s12 =	sadd.s32 s12, s24  }
0x15: {  	[tilespmem:s4], [sflag:$0x6] =	stream.linear.gather [hbm4b:s12+s2], $0x3200, $0x38;
	[tilespmem:$0xCC80] =	vst v63  }
0x16: {  	_ =	swait.ge [sflag:s13], $0x200  }
0x17: {  	[sflag:s13] =	ssyncset.done $0x0  }
0x18: {  	s15 =	simm.s32 $0x2;
	s14 =	sadd.s32 s18, s14;
	[sflag:s13] =	ssyncadd.s32 $0xFFFFFE00  }
0x19: {  	[hbm4b:s14+s2] =	stream.linear.scatter [tilespmem:s3], [sflag:$0x7], $0x200, $0x38;
	[tilespmem:$0xCC80] =	vst v63  }
0x1a: {  	_ =	swait.ge [sflag:s15], $0x200  }
0x1b: {  	[sflag:s15] =	ssyncset.done $0x0  }
0x1c: {  	[sflag:s15] =	ssyncadd.s32 $0xFFFFFE00  }
0x1d: {  	v0 =	vld [tilespmem:$0xCBF0]  }
0x1e: {  	v1 =	vld [tilespmem:$0xCBB0]  }
0x1f: {  	v3 =	vld [tilespmem:$0xCBD0]  }
0x20: {  	v4 =	vld [tilespmem:$0xCBC0]  }
0x21: {  	v6 =	vld [tilespmem:$0xCBA0]  }
0x22: {  	v54 =	vld [tilespmem:$0xCAB0];
	v0 =	vadd.s32 $0xC8000, v0  }
0x23: {  	v57 =	vld [tilespmem:$0xCAD0];
	v1 =	vadd.s32 $0xC8000, v1;
	[tilespmem:$0xCBF0] =	vst v0  }
0x24: {  	v2 =	vld [tilespmem:$0xCBE0];
	v3 =	vadd.s32 $0xC8000, v3;
	[tilespmem:$0xCBB0] =	vst v1  }
0x25: {  	v5 =	vld [tilespmem:$0xCB30];
	v4 =	vadd.s32 $0xC8000, v4;
	[tilespmem:$0xCBD0] =	vst v3  }
0x26: {  	v52 =	vld [tilespmem:$0xCB50];
	v53 =	vadd.s32 $0xC8000, v6;
	[tilespmem:$0xCBC0] =	vst v4  }
0x27: {  	v55 =	vld [tilespmem:$0xCB20];
	v56 =	vadd.s32 $0xC8000, v54;
	[tilespmem:$0xCBA0] =	vst v53  }
0x28: {  	v6 =	vadd.s32 $0xC8000, v57;
	v0 =	vld [tilespmem:$0xCB90];
	[tilespmem:$0xCAB0] =	vst v56  }
0x29: {  	v1 =	vadd.s32 $0xC8000, v2;
	v2 =	vld [tilespmem:$0xCB80];
	[tilespmem:$0xCAD0] =	vst v6  }
0x2a: {  	v3 =	vadd.s32 $0xC8000, v5;
	[tilespmem:$0xCBE0] =	vst v1;
	v1 =	vld [tilespmem:$0xCB60]  }
0x2b: {  	v5 =	vadd.s32 $0xC8000, v52;
	[tilespmem:$0xCB30] =	vst v3;
	v3 =	vld [tilespmem:$0xCB40]  }
0x2c: {  	v60 =	vld [tilespmem:$0xCA60];
	v4 =	vadd.s32 $0xC8000, v55;
	[tilespmem:$0xCB50] =	vst v5  }
0x2d: {  	v58 =	vld [tilespmem:$0xCA30];
	[tilespmem:$0xCB20] =	vst v4;
	v0 =	vadd.s32 $0xC8000, v0  }
0x2e: {  	v2 =	vadd.s32 $0xC8000, v2;
	[tilespmem:$0xCB90] =	vst v0;
	v0 =	vld [tilespmem:$0xCB10]  }
0x2f: {  	v1 =	vadd.s32 $0xC8000, v1;
	[tilespmem:$0xCB80] =	vst v2;
	v2 =	vld [tilespmem:$0xCB00]  }
0x30: {  	v3 =	vadd.s32 $0xC8000, v3;
	[tilespmem:$0xCB60] =	vst v1;
	v1 =	vld [tilespmem:$0xCAE0]  }
0x31: {  	v6 =	vadd.s32 $0xC8000, v60;
	[tilespmem:$0xCB40] =	vst v3;
	v3 =	vld [tilespmem:$0xCAC0]  }
0x32: {  	v59 =	vld [tilespmem:$0xCAA0];
	v5 =	vadd.s32 $0xC8000, v58;
	[tilespmem:$0xCA60] =	vst v6  }
0x33: {  	v61 =	vld [tilespmem:$0xCA40];
	[tilespmem:$0xCA30] =	vst v5;
	v0 =	vadd.s32 $0xC8000, v0  }
0x34: {  	v2 =	vadd.s32 $0xC8000, v2;
	[tilespmem:$0xCB10] =	vst v0;
	v0 =	vld [tilespmem:$0xCA90]  }
0x35: {  	v1 =	vadd.s32 $0xC8000, v1;
	[tilespmem:$0xCB00] =	vst v2;
	v2 =	vld [tilespmem:$0xCA80]  }
0x36: {  	v3 =	vadd.s32 $0xC8000, v3;
	[tilespmem:$0xCAE0] =	vst v1;
	v1 =	vld [tilespmem:$0xCA70]  }
0x37: {  	v4 =	vadd.s32 $0xC8000, v59;
	[tilespmem:$0xCAC0] =	vst v3;
	v3 =	vld [tilespmem:$0xCA50]  }
0x38: {  	v62 =	vld [tilespmem:$0xCA20];
	[tilespmem:$0xCAA0] =	vst v4;
	v5 =	vadd.s32 $0xC8000, v61  }
0x39: {  	v63 =	vld [tilespmem:$0xCA00];
	[tilespmem:$0xCA40] =	vst v5;
	v0 =	vadd.s32 $0xC8000, v0  }
0x3a: {  	v2 =	vadd.s32 $0xC8000, v2;
	[tilespmem:$0xCA90] =	vst v0;
	v0 =	vld [tilespmem:$0xCB70]  }
0x3b: {  	v1 =	vadd.s32 $0xC8000, v1;
	[tilespmem:$0xCA80] =	vst v2;
	v2 =	vld [tilespmem:$0xCA10]  }
0x3c: {  	[tilespmem:$0xCA70] =	vst v1;
	v1 =	vadd.s32 $0xC8000, v3;
	v3 =	vld [tilespmem:$0xCAF0]  }
0x3d: {  	[tilespmem:$0xCA50] =	vst v1;
	v1 =	vadd.s32 $0xC8000, v62  }
0x3e: {  	s25 =	ssub.s32 $0x2, s17;
	[tilespmem:$0xCA20] =	vst v1;
	v1 =	vadd.s32 $0xC8000, v63  }
0x3f: {  	s26 =	sshrl.u32 s25, $0x1;
	[tilespmem:$0xCA00] =	vst v1;
	v0 =	vadd.s32 $0xC8000, v0  }
0x40: {  	s25 =	ssub.s32 s25, s26;
	[tilespmem:$0xCB70] =	vst v0;
	v0 =	vadd.s32 $0xC8000, v2  }
0x41: {  	p0 =	sne.s32 s19, $0x1F;
	s18 =	sadd.s32 $0x1000, s18;
	s26 =	smax.u32 s25, $0x1;
	[tilespmem:$0xCA10] =	vst v0;
	v0 =	vadd.s32 $0xC8000, v3  }
0x42: {  	s20 =	simm.s32 @!p0 $0x0;
	s17 =	sadd.s32 $0x800, s14;
	s30 =	sadd.s32 $0xFFFFFFFF, s26;
	[tilespmem:$0xCAF0] =	vst v0  }
0x43: {  	v0 =	vimm.s32 @!p0 $0x190000;
	[hbm4b:s17+s2] =	stream.linear.scatter [tilespmem:s8], [sflag:$0x7], $0x200, $0x38;
	[tilespmem:$0xCC80] =	vst v63  }
0x44: {  	s21 =	simm.s32 @!p0 $0xCC00;
	s22 =	simm.s32 @!p0 $0x8;
	p1 =	sne.s32 s30, $0x0;
	[tilespmem:$0xCC00] =	vst @!p0 v0  }
0x45: {  	[hbm4b:s18+s20] =	stream.linear.scatter @!p0 [tilespmem:s21], [sflag:$0x8], $0x1, $0x38;
	[tilespmem:$0xCC80] =	vst v63  }
.Ltmp0:
0x46: {  	s28 =	simm.s32 $0x3;
	_ =	swait.ge @!p0 [sflag:s22], $0x1;
	(pc) =	sbr.rel @!p1 .LBB2_2-.Ltmp0, $4  }
0x47: {  	s31 =	simm.s32 $0x4;
	s29 =	simm.s32 $0x5;
	[sflag:s22] =	ssyncset.done @!p0 $0x0  }
0x48: {  	s23 =	sadd.s32 s16, s23;
	s19 =	sadd.s32 s16, s24;
	[sflag:s22] =	ssyncadd.s32 @!p0 $0xFFFFFFFF  }
0x49: {  	s24 =	sadd.s32 $0x19640, s23;
	s16 =	simm.s32 $0x7;
	_ =	swait.ge [sflag:s28], $0x3200  }
0x4a: {  	s25 =	sadd.s32 $0x19000, s23;
	s26 =	simm.s32 $0x6;
	[sflag:s28] =	ssyncset.done $0x0  }
.LBB2_1:
0x4b: {  	[sflag:s28] =	ssyncadd.s32 $0xFFFFCE00  }
0x4c: {  	[hbm4b:s23+s2] =	stream.linear.scatter [tilespmem:s2], [sflag:$0x7], $0x3200, $0x38;
	[tilespmem:$0xCC80] =	vst v63  }
0x4d: {  	_ =	swait.ge [sflag:s31], $0x3200  }
0x4e: {  	[sflag:s31] =	ssyncset.done $0x0  }
0x4f: {  	[sflag:s31] =	ssyncadd.s32 $0xFFFFCE00  }
0x50: {  	[hbm4b:s25+s2] =	stream.linear.scatter [tilespmem:s7], [sflag:$0x7], $0x3200, $0x38;
	[tilespmem:$0xCC80] =	vst v63  }
0x51: {  	_ =	swait.ge [sflag:s29], $0x3200  }
0x52: {  	[sflag:s29] =	ssyncset.done $0x0  }
0x53: {  	[sflag:s29] =	ssyncadd.s32 $0xFFFFCE00  }
0x54: {  	[hbm4b:s19+s2] =	stream.linear.scatter [tilespmem:s6], [sflag:$0x7], $0x3200, $0x38;
	[tilespmem:$0xCC80] =	vst v63  }
0x55: {  	_ =	swait.ge [sflag:s26], $0x3200  }
0x56: {  	[sflag:s26] =	ssyncset.done $0x0  }
0x57: {  	[sflag:s26] =	ssyncadd.s32 $0xFFFFCE00  }
0x58: {  	[hbm4b:s24+s2] =	stream.linear.scatter [tilespmem:s4], [sflag:$0x7], $0x3200, $0x38;
	[tilespmem:$0xCC80] =	vst v63  }
0x59: {  	_ =	swait.ge [sflag:s16], $0x200  }
0x5a: {  	[sflag:s16] =	ssyncset.done $0x0  }
0x5b: {  	[sflag:s16] =	ssyncadd.s32 $0xFFFFFE00  }
0x5c: {  	_ =	swait.ge [sflag:s16], $0x200  }
0x5d: {  	[sflag:s16] =	ssyncset.done $0x0  }
0x5e: {  	[sflag:s16] =	ssyncadd.s32 $0xFFFFFE00  }
0x5f: {  	_ =	swait.ge [sflag:s16], $0x3200  }
0x60: {  	[sflag:s16] =	ssyncset.done $0x0  }
0x61: {  	[sflag:s16] =	ssyncadd.s32 $0xFFFFCE00  }
0x62: {  	_ =	swait.ge [sflag:s16], $0x3200  }
0x63: {  	[sflag:s16] =	ssyncset.done $0x0  }
0x64: {  	[sflag:s16] =	ssyncadd.s32 $0xFFFFCE00  }
0x65: {  	_ =	swait.ge [sflag:s16], $0x3200  }
0x66: {  	[sflag:s16] =	ssyncset.done $0x0  }
0x67: {  	[sflag:s16] =	ssyncadd.s32 $0xFFFFCE00  }
0x68: {  	_ =	swait.ge [sflag:s16], $0x3200  }
0x69: {  	[sflag:s16] =	ssyncset.done $0x0  }
0x6a: {  	s1 =	rddreg [dreg:$0x7];
	[sflag:s16] =	ssyncadd.s32 $0xFFFFCE00  }
0x6b: {  	[tilespmem:s3], [sflag:$0x1] =	stream.linear.gather [hbm4b:s1+s2], $0x200, $0x38;
	[tilespmem:$0xCC80] =	vst v63  }
0x6c: {  	_ = 	snop  }
0x6d: {  	[tilespmem:s8], [sflag:$0x2] =	stream.linear.gather [hbm4b:s5+s2], $0x200, $0x38;
	[tilespmem:$0xCC80] =	vst v63  }
0x6e: {  	_ = 	snop  }
0x6f: {  	[tilespmem:s2], [sflag:$0x3] =	stream.linear.gather [hbm4b:s9+s2], $0x3200, $0x38;
	[tilespmem:$0xCC80] =	vst v63  }
0x70: {  	_ = 	snop  }
0x71: {  	[tilespmem:s7], [sflag:$0x4] =	stream.linear.gather [hbm4b:s10+s2], $0x3200, $0x38;
	[tilespmem:$0xCC80] =	vst v63  }
0x72: {  	_ = 	snop  }
0x73: {  	[tilespmem:s6], [sflag:$0x5] =	stream.linear.gather [hbm4b:s11+s2], $0x3200, $0x38;
	[tilespmem:$0xCC80] =	vst v63  }
0x74: {  	_ = 	snop  }
0x75: {  	[tilespmem:s4], [sflag:$0x6] =	stream.linear.gather [hbm4b:s12+s2], $0x3200, $0x38;
	[tilespmem:$0xCC80] =	vst v63  }
0x76: {  	_ =	swait.ge [sflag:s13], $0x200  }
0x77: {  	[sflag:s13] =	ssyncset.done $0x0  }
0x78: {  	[sflag:s13] =	ssyncadd.s32 $0xFFFFFE00  }
0x79: {  	[hbm4b:s14+s2] =	stream.linear.scatter [tilespmem:s3], [sflag:$0x7], $0x200, $0x38;
	[tilespmem:$0xCC80] =	vst v63  }
0x7a: {  	_ =	swait.ge [sflag:s15], $0x200  }
0x7b: {  	[sflag:s15] =	ssyncset.done $0x0  }
0x7c: {  	[sflag:s15] =	ssyncadd.s32 $0xFFFFFE00  }
0x7d: {  	v1 =	vld [tilespmem:$0xCBF0]  }
0x7e: {  	v2 =	vld [tilespmem:$0xCBB0]  }
0x7f: {  	v4 =	vld [tilespmem:$0xCBD0]  }
0x80: {  	v5 =	vld [tilespmem:$0xCBC0]  }
0x81: {  	v6 =	vld [tilespmem:$0xCB30]  }
0x82: {  	v7 =	vld [tilespmem:$0xCBA0];
	v1 =	vadd.s32 $0xC8000, v1  }
0x83: {  	v48 =	vld [tilespmem:$0xCB50];
	v2 =	vadd.s32 $0xC8000, v2;
	[tilespmem:$0xCBF0] =	vst v1  }
0x84: {  	v3 =	vld [tilespmem:$0xCBE0];
	v4 =	vadd.s32 $0xC8000, v4;
	[tilespmem:$0xCBB0] =	vst v2  }
0x85: {  	v51 =	vld [tilespmem:$0xCAB0];
	v5 =	vadd.s32 $0xC8000, v5;
	[tilespmem:$0xCBD0] =	vst v4  }
0x86: {  	v54 =	vld [tilespmem:$0xCAD0];
	v47 =	vadd.s32 $0xC8000, v6;
	[tilespmem:$0xCBC0] =	vst v5  }
0x87: {  	v49 =	vld [tilespmem:$0xCB40];
	v50 =	vadd.s32 $0xC8000, v7;
	[tilespmem:$0xCB30] =	vst v47  }
0x88: {  	v6 =	vadd.s32 $0xC8000, v48;
	v1 =	vld [tilespmem:$0xCB90];
	[tilespmem:$0xCBA0] =	vst v50  }
0x89: {  	v2 =	vadd.s32 $0xC8000, v3;
	v3 =	vld [tilespmem:$0xCB80];
	[tilespmem:$0xCB50] =	vst v6  }
0x8a: {  	v53 =	vadd.s32 $0xC8000, v51;
	[tilespmem:$0xCBE0] =	vst v2;
	v2 =	vld [tilespmem:$0xCB60]  }
0x8b: {  	v52 =	vld [tilespmem:$0xCB20];
	v7 =	vadd.s32 $0xC8000, v54;
	[tilespmem:$0xCAB0] =	vst v53  }
0x8c: {  	v56 =	vld [tilespmem:$0xCA30];
	v4 =	vadd.s32 $0xC8000, v49;
	[tilespmem:$0xCAD0] =	vst v7  }
0x8d: {  	v58 =	vld [tilespmem:$0xCA60];
	[tilespmem:$0xCB40] =	vst v4;
	v1 =	vadd.s32 $0xC8000, v1  }
0x8e: {  	v3 =	vadd.s32 $0xC8000, v3;
	[tilespmem:$0xCB90] =	vst v1;
	v1 =	vld [tilespmem:$0xCB10]  }
0x8f: {  	v2 =	vadd.s32 $0xC8000, v2;
	[tilespmem:$0xCB80] =	vst v3;
	v3 =	vld [tilespmem:$0xCB00]  }
0x90: {  	v5 =	vadd.s32 $0xC8000, v52;
	[tilespmem:$0xCB60] =	vst v2;
	v2 =	vld [tilespmem:$0xCAE0]  }
0x91: {  	v55 =	vld [tilespmem:$0xCAC0];
	v6 =	vadd.s32 $0xC8000, v56;
	[tilespmem:$0xCB20] =	vst v5  }
0x92: {  	v57 =	vld [tilespmem:$0xCAA0];
	v7 =	vadd.s32 $0xC8000, v58;
	[tilespmem:$0xCA30] =	vst v6  }
0x93: {  	v60 =	vld [tilespmem:$0xCA40];
	[tilespmem:$0xCA60] =	vst v7;
	v1 =	vadd.s32 $0xC8000, v1  }
0x94: {  	v3 =	vadd.s32 $0xC8000, v3;
	[tilespmem:$0xCB10] =	vst v1;
	v1 =	vld [tilespmem:$0xCA90]  }
0x95: {  	v2 =	vadd.s32 $0xC8000, v2;
	[tilespmem:$0xCB00] =	vst v3;
	v3 =	vld [tilespmem:$0xCA80]  }
0x96: {  	v4 =	vadd.s32 $0xC8000, v55;
	[tilespmem:$0xCAE0] =	vst v2;
	v2 =	vld [tilespmem:$0xCA70]  }
0x97: {  	v59 =	vld [tilespmem:$0xCA50];
	v5 =	vadd.s32 $0xC8000, v57;
	[tilespmem:$0xCAC0] =	vst v4  }
0x98: {  	v61 =	vld [tilespmem:$0xCA20];
	v6 =	vadd.s32 $0xC8000, v60;
	[tilespmem:$0xCAA0] =	vst v5  }
0x99: {  	v63 =	vld [tilespmem:$0xCA00];
	[tilespmem:$0xCA40] =	vst v6;
	v1 =	vadd.s32 $0xC8000, v1  }
0x9a: {  	v3 =	vadd.s32 $0xC8000, v3;
	[tilespmem:$0xCA90] =	vst v1;
	v1 =	vld [tilespmem:$0xCB70]  }
0x9b: {  	v2 =	vadd.s32 $0xC8000, v2;
	[tilespmem:$0xCA80] =	vst v3;
	v3 =	vld [tilespmem:$0xCA10]  }
0x9c: {  	v62 =	vld [tilespmem:$0xCAF0];
	[tilespmem:$0xCA70] =	vst v2;
	v2 =	vadd.s32 $0xC8000, v59  }
0x9d: {  	[tilespmem:$0xCA50] =	vst v2;
	v2 =	vadd.s32 $0xC8000, v61  }
0x9e: {  	[tilespmem:$0xCA20] =	vst v2;
	v2 =	vadd.s32 $0xC8000, v63  }
0x9f: {  	[tilespmem:$0xCA00] =	vst v2;
	v1 =	vadd.s32 $0xC8000, v1  }
0xa0: {  	[tilespmem:$0xCB70] =	vst v1;
	v1 =	vadd.s32 $0xC8000, v3  }
0xa1: {  	[tilespmem:$0xCA10] =	vst v1;
	v1 =	vadd.s32 $0xC8000, v62  }
0xa2: {  	s30 =	sadd.s32 $0xFFFFFFFF, s30;
	[tilespmem:$0xCAF0] =	vst v1  }
0xa3: {  	[hbm4b:s17+s2] =	stream.linear.scatter [tilespmem:s8], [sflag:$0x7], $0x200, $0x38;
	[tilespmem:$0xCC80] =	vst v63  }
0xa4: {  	p1 =	sne.s32 s30, $0x0;
	[tilespmem:$0xCC00] =	vst @!p0 v0  }
0xa5: {  	[hbm4b:s18+s20] =	stream.linear.scatter @!p0 [tilespmem:s21], [sflag:$0x8], $0x1, $0x38;
	[tilespmem:$0xCC80] =	vst v63  }
.Ltmp1:
0xa6: {  	_ =	swait.ge @!p0 [sflag:s22], $0x1;
	(pc) =	sbr.rel @p1 .LBB2_1-.Ltmp1, $4  }
0xa7: {  	[sflag:s22] =	ssyncset.done @!p0 $0x0  }
0xa8: {  	[sflag:s22] =	ssyncadd.s32 @!p0 $0xFFFFFFFF  }
0xa9: {  	_ =	swait.ge [sflag:s28], $0x3200  }
0xaa: {  	[sflag:s28] =	ssyncset.done $0x0  }
.LBB2_2:
0xab: {  	[sflag:s28] =	ssyncadd.s32 $0xFFFFCE00  }
0xac: {  	[hbm4b:s23+s2] =	stream.linear.scatter [tilespmem:s2], [sflag:$0x7], $0x3200, $0x38;
	[tilespmem:$0xCC80] =	vst v63  }
0xad: {  	_ =	swait.ge [sflag:s31], $0x3200  }
0xae: {  	[sflag:s31] =	ssyncset.done $0x0  }
0xaf: {  	[sflag:s31] =	ssyncadd.s32 $0xFFFFCE00  }
0xb0: {  	[hbm4b:s25+s2] =	stream.linear.scatter [tilespmem:s7], [sflag:$0x7], $0x3200, $0x38;
	[tilespmem:$0xCC80] =	vst v63  }
0xb1: {  	_ =	swait.ge [sflag:s29], $0x3200  }
0xb2: {  	[sflag:s29] =	ssyncset.done $0x0  }
0xb3: {  	[sflag:s29] =	ssyncadd.s32 $0xFFFFCE00  }
0xb4: {  	[hbm4b:s19+s2] =	stream.linear.scatter [tilespmem:s6], [sflag:$0x7], $0x3200, $0x38;
	[tilespmem:$0xCC80] =	vst v63  }
0xb5: {  	_ =	swait.ge [sflag:s26], $0x3200  }
0xb6: {  	[sflag:s26] =	ssyncset.done $0x0  }
0xb7: {  	[sflag:s26] =	ssyncadd.s32 $0xFFFFCE00  }
0xb8: {  	[hbm4b:s24+s2] =	stream.linear.scatter [tilespmem:s4], [sflag:$0x7], $0x3200, $0x38;
	[tilespmem:$0xCC80] =	vst v63  }
0xb9: {  	_ =	swait.ge [sflag:s16], $0x200  }
0xba: {  	[sflag:s16] =	ssyncset.done $0x0  }
0xbb: {  	[sflag:s16] =	ssyncadd.s32 $0xFFFFFE00  }
0xbc: {  	_ =	swait.ge [sflag:s16], $0x200  }
0xbd: {  	[sflag:s16] =	ssyncset.done $0x0  }
0xbe: {  	[sflag:s16] =	ssyncadd.s32 $0xFFFFFE00  }
0xbf: {  	_ =	swait.ge [sflag:s16], $0x3200  }
0xc0: {  	[sflag:s16] =	ssyncset.done $0x0  }
0xc1: {  	[sflag:s16] =	ssyncadd.s32 $0xFFFFCE00  }
0xc2: {  	_ =	swait.ge [sflag:s16], $0x3200  }
0xc3: {  	[sflag:s16] =	ssyncset.done $0x0  }
0xc4: {  	[sflag:s16] =	ssyncadd.s32 $0xFFFFCE00  }
0xc5: {  	_ =	swait.ge [sflag:s16], $0x3200  }
0xc6: {  	[sflag:s16] =	ssyncset.done $0x0  }
0xc7: {  	[sflag:s16] =	ssyncadd.s32 $0xFFFFCE00  }
0xc8: {  	_ =	swait.ge [sflag:s16], $0x3200  }
0xc9: {  	[sflag:s16] =	ssyncset.done $0x0  }
0xca: {  	[sflag:s16] =	ssyncadd.s32 $0xFFFFCE00  }
0xcb: {  	_ =	sfence.sel $0x180000  }
0xcc: {  	[bflag:$0x0] =	sbarrier.arrive $0xFFFF  }
0xcd: {  	_ =	strace $0x90000047  }
0xce: {  	[bflag:$0x2] =	sbarrier.arrive $0xFFFF  }
0xcf: {  	p0 =	sne.s32 s0, $0x0;
	s0 =	rddreg [dreg:$0x6]  }
0xd0: {  	s0 =	sadd.s32 @!p0 $0x100000, s0  }
0xd1: {  	[sflag:s0] =	ssyncadd.tile.s32 @!p0 $0x1;
	_ =	shalt  }
.Lfunc_end2:
_tile_overlayer_lowered:
.L_overlay_start_2:
0xd2: {  	(tag) =	ssettag $0x2  }
0xd3: {  	s0 =	rddreg [dreg:$0x0];
	s2 =	stileid.u32  }
0xd4: {  	s1 =	rddreg [dreg:$0x1];
	p0 =	sne.s32 s2, $0x0  }
0xd5: {  	s3 =	rddreg [dreg:$0x2];
	[bflag:$0x3] =	sbarrier.arrive $0xFFFF;
	s2 =	simm.s32 @!p0 $0x1C08  }
0xd6: {  	[timem:s3], [sflag:s2] =	dma.local @!p0 [hbm:s0], s1  }
0xd7: {  	s0 =	simm.s32 @!p0 $0x8  }
0xd8: {  	_ =	swait.ge @!p0 [sflag:s0], s1  }
0xd9: {  	s1 =	ssub.s32 @!p0 $0x0, s1;
	[sflag:s0] =	ssyncset.done @!p0 $0x0  }
0xda: {  	[sflag:s0] =	ssyncadd.s32 @!p0 s1  }
0xdb: {  	[bflag:$0x3] =	sbarrier.arrive $0xFFFF  }
0xdc: {  	_ =	shalt  }

</sc_bundles>
